<compile_context>
chip_gen: v7x
topology: tpu7x:2x2x1
jax: 0.10.2.dev20260603
libtpu: 0.0.44.dev20260713+nightly
codegen_flags: <defaults>
</compile_context>

<pallas_src>
import functools

import jax
import jax.numpy as jnp
from jax import lax
from jax.experimental import pallas as pl
from jax.experimental.pallas import tpu as pltpu
from jax.experimental.pallas import tpu_sc as plsc

BATCH = 4
SEQ = 8192
EMBED = 1024

NC = 2
NS = 16
NW = NC * NS
B = BATCH * SEQ
B_PER_W = B // NW
CHUNK = 8
NCH = B_PER_W // CHUNK
NBUF = 8
NGRP = NCH // NBUF

_mesh = plsc.VectorSubcoreMesh(core_axis_name="c", subcore_axis_name="s")


@functools.partial(
    pl.kernel,
    out_type=jax.ShapeDtypeStruct((NW, NCH, CHUNK, EMBED), jnp.float32),
    mesh=_mesh,
    scratch_types=[
        pltpu.VMEM((NCH, CHUNK), jnp.int32),
        [pltpu.VMEM((CHUNK, EMBED), jnp.float32) for _ in range(NBUF)],
        [pltpu.SemaphoreType.DMA for _ in range(NBUF)],
    ],
)
def _gather_kernel(table_hbm, idx_hbm, out_hbm, idx_v, bufs, gsems):
    wid = lax.axis_index("s") * NC + lax.axis_index("c")
    pltpu.sync_copy(idx_hbm.at[wid], idx_v)

    for b in range(NBUF):
        pltpu.async_copy(table_hbm.at[idx_v.at[b]], bufs[b], gsems[b])

    def group(i, carry):
        for b in range(NBUF):
            g = i * NBUF + b
            pltpu.make_async_copy(table_hbm.at[idx_v.at[g]], bufs[b], gsems[b]).wait()
            pltpu.sync_copy(bufs[b], out_hbm.at[wid, g])
            pltpu.async_copy(table_hbm.at[idx_v.at[g + NBUF]], bufs[b], gsems[b])
        return carry

    lax.fori_loop(0, NGRP - 1, group, 0)

    for b in range(NBUF):
        g = (NGRP - 1) * NBUF + b
        pltpu.make_async_copy(table_hbm.at[idx_v.at[g]], bufs[b], gsems[b]).wait()
        pltpu.sync_copy(bufs[b], out_hbm.at[wid, g])


def kernel(position_ids, table):
    idx = position_ids.reshape(NW, NCH, CHUNK).astype(jnp.int32)
    out = _gather_kernel(table, idx)
    return out.reshape(BATCH, SEQ, EMBED)

# --- scband reference (transcript-rebuilt; emitter-appended) ---
"""Pipeline reference for scband-positional-embedding-4664334484009 (READ-ONLY COPY).

The authoritative reference and input builder live on the scoring server;
editing this copy changes nothing except your own understanding.
"""

import jax, jax.numpy as jnp
import numpy as np

MAX_POS = 8192
EMBED = 1024
BATCH = 4
SEQ = 8192

def setup_inputs(seed: int = 0) -> dict:
    key = jax.random.key(seed)
    k_idx, k_tab = jax.random.split(key)
    position_ids = jax.random.randint(k_idx, (BATCH, SEQ), 0, MAX_POS, dtype=jnp.int64 if jax.config.jax_enable_x64 else jnp.int32)
    table = jax.random.normal(k_tab, (MAX_POS, EMBED), dtype=jnp.float32) * 0.02
    return {"position_ids": position_ids, "table": table}

def reference(position_ids, table):
    # nn.Embedding forward: gather rows of the embedding table
    return jnp.take(table, position_ids, axis=0)

if __name__ == "__main__":
    import jax
    _d = setup_inputs()
    print(jax.jit(kernel)(*tuple(_d.values())))

</pallas_src>

<mosaic_0001>
#map = affine_map<(d0, d1) -> (0, 0)>
#map1 = affine_map<(d0, d1) -> (0, 0, 0)>
#map2 = affine_map<(d0, d1) -> (0, 0, 0, 0)>
module attributes {stable_mosaic.version = 14 : i64} {
  func.func @_gather_kernel(%arg0: i32, %arg1: i32, %arg2: memref<8192x1024xf32, #tpu.memory_space<hbm>>, %arg3: memref<32x128x8xi32, #tpu.memory_space<hbm>>, %arg4: memref<32x128x8x1024xf32, #tpu.memory_space<hbm>>, %arg5: memref<128x8xi32, #tpu.memory_space<vmem>>, %arg6: memref<8x1024xf32, #tpu.memory_space<vmem>>, %arg7: memref<8x1024xf32, #tpu.memory_space<vmem>>, %arg8: memref<8x1024xf32, #tpu.memory_space<vmem>>, %arg9: memref<8x1024xf32, #tpu.memory_space<vmem>>, %arg10: memref<8x1024xf32, #tpu.memory_space<vmem>>, %arg11: memref<8x1024xf32, #tpu.memory_space<vmem>>, %arg12: memref<8x1024xf32, #tpu.memory_space<vmem>>, %arg13: memref<8x1024xf32, #tpu.memory_space<vmem>>, %arg14: memref<!tpu.dma_semaphore, #tpu.memory_space<semaphore_mem>>, %arg15: memref<!tpu.dma_semaphore, #tpu.memory_space<semaphore_mem>>, %arg16: memref<!tpu.dma_semaphore, #tpu.memory_space<semaphore_mem>>, %arg17: memref<!tpu.dma_semaphore, #tpu.memory_space<semaphore_mem>>, %arg18: memref<!tpu.dma_semaphore, #tpu.memory_space<semaphore_mem>>, %arg19: memref<!tpu.dma_semaphore, #tpu.memory_space<semaphore_mem>>, %arg20: memref<!tpu.dma_semaphore, #tpu.memory_space<semaphore_mem>>, %arg21: memref<!tpu.dma_semaphore, #tpu.memory_space<semaphore_mem>>) attributes {dimension_semantics = [#tpu.dimension_semantics<core_parallel>, #tpu.dimension_semantics<subcore_parallel>], iteration_bounds = array<i64: 2, 16>, scalar_prefetch = 0 : i64, scratch_operands = 17 : i64, tpu.core_type = #tpu.core_type<sc_vector_subcore>, window_params = [{transform_indices = #map}, {transform_indices = #map1}, {transform_indices = #map2}]} {
    %mul3A = arith.constant 2 : i32
    %mul3A_0 = arith.muli %arg1, %mul3A : i32
    %add3A = arith.addi %mul3A_0, %arg0 : i32
    "tpu.region"() ({
      %run_scoped3A_123 = tpu.sem_alloc : memref<!tpu.dma_semaphore, #tpu.memory_space<semaphore_mem>>
      %dma_start3A_124 = arith.constant 0 : i32
      %dma_start3A_125 = arith.constant 0 : i32
      %dma_start3A_126 = tpu.memref_slice %arg3[%add3A, %dma_start3A_124, %dma_start3A_125] : memref<32x128x8xi32, #tpu.memory_space<hbm>> -> memref<1x128x8xi32, #tpu.memory_space<hbm>>
      %dma_start3A_127 = tpu.memref_squeeze %dma_start3A_126 : memref<1x128x8xi32, #tpu.memory_space<hbm>> -> memref<128x8xi32, #tpu.memory_space<hbm>>
      %dma_start3A_128 = arith.constant 0 : i32
      %dma_start3A_129 = arith.constant 0 : i32
      %dma_start3A_130 = tpu.memref_slice %arg3[%add3A, %dma_start3A_128, %dma_start3A_129] : memref<32x128x8xi32, #tpu.memory_space<hbm>> -> memref<1x128x8xi32, #tpu.memory_space<hbm>>
      %dma_start3A_131 = tpu.memref_squeeze %dma_start3A_130 : memref<1x128x8xi32, #tpu.memory_space<hbm>> -> memref<128x8xi32, #tpu.memory_space<hbm>>
      tpu.enqueue_dma source(%dma_start3A_131 : memref<128x8xi32, #tpu.memory_space<hbm>>) target(%arg5 : memref<128x8xi32, #tpu.memory_space<vmem>>) target_semaphore(%run_scoped3A_123 : memref<!tpu.dma_semaphore, #tpu.memory_space<semaphore_mem>>)
      %dma_wait3A_132 = arith.constant 0 : i32
      %dma_wait3A_133 = arith.constant 0 : i32
      %dma_wait3A_134 = tpu.memref_slice %arg3[%add3A, %dma_wait3A_132, %dma_wait3A_133] : memref<32x128x8xi32, #tpu.memory_space<hbm>> -> memref<1x128x8xi32, #tpu.memory_space<hbm>>
      %dma_wait3A_135 = tpu.memref_squeeze %dma_wait3A_134 : memref<1x128x8xi32, #tpu.memory_space<hbm>> -> memref<128x8xi32, #tpu.memory_space<hbm>>
      %dma_wait3A_136 = arith.constant 0 : i32
      %dma_wait3A_137 = arith.constant 0 : i32
      %dma_wait3A_138 = tpu.memref_slice %arg3[%add3A, %dma_wait3A_136, %dma_wait3A_137] : memref<32x128x8xi32, #tpu.memory_space<hbm>> -> memref<1x128x8xi32, #tpu.memory_space<hbm>>
      %dma_wait3A_139 = tpu.memref_squeeze %dma_wait3A_138 : memref<1x128x8xi32, #tpu.memory_space<hbm>> -> memref<128x8xi32, #tpu.memory_space<hbm>>
      tpu.wait_dma2 semaphore(%run_scoped3A_123 : memref<!tpu.dma_semaphore, #tpu.memory_space<semaphore_mem>>) src(%dma_wait3A_139 : memref<128x8xi32, #tpu.memory_space<hbm>>) dst(%arg5 : memref<128x8xi32, #tpu.memory_space<vmem>>)
      tpu.yield
    }) : () -> ()
    %dma_start3A = arith.constant 0 : i32
    %dma_start3A_1 = arith.constant 0 : i32
    %dma_start3A_2 = tpu.memref_slice %arg5[%dma_start3A, %dma_start3A_1] : memref<128x8xi32, #tpu.memory_space<vmem>> -> memref<1x8xi32, #tpu.memory_space<vmem>>
    %dma_start3A_3 = tpu.memref_squeeze %dma_start3A_2 : memref<1x8xi32, #tpu.memory_space<vmem>> -> memref<8xi32, #tpu.memory_space<vmem>>
    %dma_start3A_4 = arith.constant 0 : i32
    %dma_start3A_5 = arith.constant 0 : i32
    %dma_start3A_6 = tpu.memref_slice %arg2[%dma_start3A_4, %dma_start3A_5] : memref<8192x1024xf32, #tpu.memory_space<hbm>> -> memref<8192x1024xf32, #tpu.memory_space<hbm>>
    tpu.enqueue_indirect_dma source(%dma_start3A_6 : memref<8192x1024xf32, #tpu.memory_space<hbm>>) target(%arg6 : memref<8x1024xf32, #tpu.memory_space<vmem>>) offsets(%dma_start3A_3 : memref<8xi32, #tpu.memory_space<vmem>>) semaphore(%arg14 : memref<!tpu.dma_semaphore, #tpu.memory_space<semaphore_mem>>)
    %dma_start3A_7 = arith.constant 1 : i32
    %dma_start3A_8 = arith.constant 0 : i32
    %dma_start3A_9 = tpu.memref_slice %arg5[%dma_start3A_7, %dma_start3A_8] : memref<128x8xi32, #tpu.memory_space<vmem>> -> memref<1x8xi32, #tpu.memory_space<vmem>>
    %dma_start3A_10 = tpu.memref_squeeze %dma_start3A_9 : memref<1x8xi32, #tpu.memory_space<vmem>> -> memref<8xi32, #tpu.memory_space<vmem>>
    %dma_start3A_11 = arith.constant 0 : i32
    %dma_start3A_12 = arith.constant 0 : i32
    %dma_start3A_13 = tpu.memref_slice %arg2[%dma_start3A_11, %dma_start3A_12] : memref<8192x1024xf32, #tpu.memory_space<hbm>> -> memref<8192x1024xf32, #tpu.memory_space<hbm>>
    tpu.enqueue_indirect_dma source(%dma_start3A_13 : memref<8192x1024xf32, #tpu.memory_space<hbm>>) target(%arg7 : memref<8x1024xf32, #tpu.memory_space<vmem>>) offsets(%dma_start3A_10 : memref<8xi32, #tpu.memory_space<vmem>>) semaphore(%arg15 : memref<!tpu.dma_semaphore, #tpu.memory_space<semaphore_mem>>)
    %dma_start3A_14 = arith.constant 2 : i32
    %dma_start3A_15 = arith.constant 0 : i32
    %dma_start3A_16 = tpu.memref_slice %arg5[%dma_start3A_14, %dma_start3A_15] : memref<128x8xi32, #tpu.memory_space<vmem>> -> memref<1x8xi32, #tpu.memory_space<vmem>>
    %dma_start3A_17 = tpu.memref_squeeze %dma_start3A_16 : memref<1x8xi32, #tpu.memory_space<vmem>> -> memref<8xi32, #tpu.memory_space<vmem>>
    %dma_start3A_18 = arith.constant 0 : i32
    %dma_start3A_19 = arith.constant 0 : i32
    %dma_start3A_20 = tpu.memref_slice %arg2[%dma_start3A_18, %dma_start3A_19] : memref<8192x1024xf32, #tpu.memory_space<hbm>> -> memref<8192x1024xf32, #tpu.memory_space<hbm>>
    tpu.enqueue_indirect_dma source(%dma_start3A_20 : memref<8192x1024xf32, #tpu.memory_space<hbm>>) target(%arg8 : memref<8x1024xf32, #tpu.memory_space<vmem>>) offsets(%dma_start3A_17 : memref<8xi32, #tpu.memory_space<vmem>>) semaphore(%arg16 : memref<!tpu.dma_semaphore, #tpu.memory_space<semaphore_mem>>)
    %dma_start3A_21 = arith.constant 3 : i32
    %dma_start3A_22 = arith.constant 0 : i32
    %dma_start3A_23 = tpu.memref_slice %arg5[%dma_start3A_21, %dma_start3A_22] : memref<128x8xi32, #tpu.memory_space<vmem>> -> memref<1x8xi32, #tpu.memory_space<vmem>>
    %dma_start3A_24 = tpu.memref_squeeze %dma_start3A_23 : memref<1x8xi32, #tpu.memory_space<vmem>> -> memref<8xi32, #tpu.memory_space<vmem>>
    %dma_start3A_25 = arith.constant 0 : i32
    %dma_start3A_26 = arith.constant 0 : i32
    %dma_start3A_27 = tpu.memref_slice %arg2[%dma_start3A_25, %dma_start3A_26] : memref<8192x1024xf32, #tpu.memory_space<hbm>> -> memref<8192x1024xf32, #tpu.memory_space<hbm>>
    tpu.enqueue_indirect_dma source(%dma_start3A_27 : memref<8192x1024xf32, #tpu.memory_space<hbm>>) target(%arg9 : memref<8x1024xf32, #tpu.memory_space<vmem>>) offsets(%dma_start3A_24 : memref<8xi32, #tpu.memory_space<vmem>>) semaphore(%arg17 : memref<!tpu.dma_semaphore, #tpu.memory_space<semaphore_mem>>)
    %dma_start3A_28 = arith.constant 4 : i32
    %dma_start3A_29 = arith.constant 0 : i32
    %dma_start3A_30 = tpu.memref_slice %arg5[%dma_start3A_28, %dma_start3A_29] : memref<128x8xi32, #tpu.memory_space<vmem>> -> memref<1x8xi32, #tpu.memory_space<vmem>>
    %dma_start3A_31 = tpu.memref_squeeze %dma_start3A_30 : memref<1x8xi32, #tpu.memory_space<vmem>> -> memref<8xi32, #tpu.memory_space<vmem>>
    %dma_start3A_32 = arith.constant 0 : i32
    %dma_start3A_33 = arith.constant 0 : i32
    %dma_start3A_34 = tpu.memref_slice %arg2[%dma_start3A_32, %dma_start3A_33] : memref<8192x1024xf32, #tpu.memory_space<hbm>> -> memref<8192x1024xf32, #tpu.memory_space<hbm>>
    tpu.enqueue_indirect_dma source(%dma_start3A_34 : memref<8192x1024xf32, #tpu.memory_space<hbm>>) target(%arg10 : memref<8x1024xf32, #tpu.memory_space<vmem>>) offsets(%dma_start3A_31 : memref<8xi32, #tpu.memory_space<vmem>>) semaphore(%arg18 : memref<!tpu.dma_semaphore, #tpu.memory_space<semaphore_mem>>)
    %dma_start3A_35 = arith.constant 5 : i32
    %dma_start3A_36 = arith.constant 0 : i32
    %dma_start3A_37 = tpu.memref_slice %arg5[%dma_start3A_35, %dma_start3A_36] : memref<128x8xi32, #tpu.memory_space<vmem>> -> memref<1x8xi32, #tpu.memory_space<vmem>>
    %dma_start3A_38 = tpu.memref_squeeze %dma_start3A_37 : memref<1x8xi32, #tpu.memory_space<vmem>> -> memref<8xi32, #tpu.memory_space<vmem>>
    %dma_start3A_39 = arith.constant 0 : i32
    %dma_start3A_40 = arith.constant 0 : i32
    %dma_start3A_41 = tpu.memref_slice %arg2[%dma_start3A_39, %dma_start3A_40] : memref<8192x1024xf32, #tpu.memory_space<hbm>> -> memref<8192x1024xf32, #tpu.memory_space<hbm>>
    tpu.enqueue_indirect_dma source(%dma_start3A_41 : memref<8192x1024xf32, #tpu.memory_space<hbm>>) target(%arg11 : memref<8x1024xf32, #tpu.memory_space<vmem>>) offsets(%dma_start3A_38 : memref<8xi32, #tpu.memory_space<vmem>>) semaphore(%arg19 : memref<!tpu.dma_semaphore, #tpu.memory_space<semaphore_mem>>)
    %dma_start3A_42 = arith.constant 6 : i32
    %dma_start3A_43 = arith.constant 0 : i32
    %dma_start3A_44 = tpu.memref_slice %arg5[%dma_start3A_42, %dma_start3A_43] : memref<128x8xi32, #tpu.memory_space<vmem>> -> memref<1x8xi32, #tpu.memory_space<vmem>>
    %dma_start3A_45 = tpu.memref_squeeze %dma_start3A_44 : memref<1x8xi32, #tpu.memory_space<vmem>> -> memref<8xi32, #tpu.memory_space<vmem>>
    %dma_start3A_46 = arith.constant 0 : i32
    %dma_start3A_47 = arith.constant 0 : i32
    %dma_start3A_48 = tpu.memref_slice %arg2[%dma_start3A_46, %dma_start3A_47] : memref<8192x1024xf32, #tpu.memory_space<hbm>> -> memref<8192x1024xf32, #tpu.memory_space<hbm>>
    tpu.enqueue_indirect_dma source(%dma_start3A_48 : memref<8192x1024xf32, #tpu.memory_space<hbm>>) target(%arg12 : memref<8x1024xf32, #tpu.memory_space<vmem>>) offsets(%dma_start3A_45 : memref<8xi32, #tpu.memory_space<vmem>>) semaphore(%arg20 : memref<!tpu.dma_semaphore, #tpu.memory_space<semaphore_mem>>)
    %dma_start3A_49 = arith.constant 7 : i32
    %dma_start3A_50 = arith.constant 0 : i32
    %dma_start3A_51 = tpu.memref_slice %arg5[%dma_start3A_49, %dma_start3A_50] : memref<128x8xi32, #tpu.memory_space<vmem>> -> memref<1x8xi32, #tpu.memory_space<vmem>>
    %dma_start3A_52 = tpu.memref_squeeze %dma_start3A_51 : memref<1x8xi32, #tpu.memory_space<vmem>> -> memref<8xi32, #tpu.memory_space<vmem>>
    %dma_start3A_53 = arith.constant 0 : i32
    %dma_start3A_54 = arith.constant 0 : i32
    %dma_start3A_55 = tpu.memref_slice %arg2[%dma_start3A_53, %dma_start3A_54] : memref<8192x1024xf32, #tpu.memory_space<hbm>> -> memref<8192x1024xf32, #tpu.memory_space<hbm>>
    tpu.enqueue_indirect_dma source(%dma_start3A_55 : memref<8192x1024xf32, #tpu.memory_space<hbm>>) target(%arg13 : memref<8x1024xf32, #tpu.memory_space<vmem>>) offsets(%dma_start3A_52 : memref<8xi32, #tpu.memory_space<vmem>>) semaphore(%arg21 : memref<!tpu.dma_semaphore, #tpu.memory_space<semaphore_mem>>)
    %scan3A = arith.constant 0 : i32
    %scan3A_56 = arith.constant 0 : i32
    %scan3A_57 = arith.constant 15 : i32
    %scan3A_58 = arith.addi %scan3A_56, %scan3A_57 : i32
    %scan3A_59 = arith.constant 1 : i32
    scf.for %scan3A_123 = %scan3A_56 to %scan3A_58 step %scan3A_59  : i32 {
      %mul3A_124 = arith.constant 8 : i32
      %mul3A_125 = arith.muli %scan3A_123, %mul3A_124 : i32
      %add3A_126 = arith.constant 0 : i32
      %add3A_127 = arith.addi %mul3A_125, %add3A_126 : i32
      %dma_wait3A_128 = arith.constant 0 : i32
      %dma_wait3A_129 = tpu.memref_slice %arg5[%add3A_127, %dma_wait3A_128] : memref<128x8xi32, #tpu.memory_space<vmem>> -> memref<1x8xi32, #tpu.memory_space<vmem>>
      %dma_wait3A_130 = tpu.memref_squeeze %dma_wait3A_129 : memref<1x8xi32, #tpu.memory_space<vmem>> -> memref<8xi32, #tpu.memory_space<vmem>>
      %dma_wait3A_131 = arith.constant 0 : i32
      %dma_wait3A_132 = arith.constant 0 : i32
      %dma_wait3A_133 = tpu.memref_slice %arg2[%dma_wait3A_131, %dma_wait3A_132] : memref<8192x1024xf32, #tpu.memory_space<hbm>> -> memref<8192x1024xf32, #tpu.memory_space<hbm>>
      tpu.wait_indirect_dma semaphore(%arg14 : memref<!tpu.dma_semaphore, #tpu.memory_space<semaphore_mem>>) src(%dma_wait3A_133 : memref<8192x1024xf32, #tpu.memory_space<hbm>>) dst(%arg6 : memref<8x1024xf32, #tpu.memory_space<vmem>>)
      "tpu.region"() ({
        %run_scoped3A_268 = tpu.sem_alloc : memref<!tpu.dma_semaphore, #tpu.memory_space<semaphore_mem>>
        %dma_start3A_269 = arith.constant 0 : i32
        %dma_start3A_270 = arith.constant 0 : i32
        %dma_start3A_271 = tpu.memref_slice %arg4[%add3A, %add3A_127, %dma_start3A_269, %dma_start3A_270] : memref<32x128x8x1024xf32, #tpu.memory_space<hbm>> -> memref<1x1x8x1024xf32, #tpu.memory_space<hbm>>
        %dma_start3A_272 = tpu.memref_squeeze %dma_start3A_271 : memref<1x1x8x1024xf32, #tpu.memory_space<hbm>> -> memref<8x1024xf32, #tpu.memory_space<hbm>>
        %dma_start3A_273 = arith.constant 0 : i32
        %dma_start3A_274 = arith.constant 0 : i32
        %dma_start3A_275 = tpu.memref_slice %arg4[%add3A, %add3A_127, %dma_start3A_273, %dma_start3A_274] : memref<32x128x8x1024xf32, #tpu.memory_space<hbm>> -> memref<1x1x8x1024xf32, #tpu.memory_space<hbm>>
        %dma_start3A_276 = tpu.memref_squeeze %dma_start3A_275 : memref<1x1x8x1024xf32, #tpu.memory_space<hbm>> -> memref<8x1024xf32, #tpu.memory_space<hbm>>
        tpu.enqueue_dma source(%arg6 : memref<8x1024xf32, #tpu.memory_space<vmem>>) target(%dma_start3A_276 : memref<8x1024xf32, #tpu.memory_space<hbm>>) target_semaphore(%run_scoped3A_268 : memref<!tpu.dma_semaphore, #tpu.memory_space<semaphore_mem>>)
        %dma_wait3A_277 = arith.constant 0 : i32
        %dma_wait3A_278 = arith.constant 0 : i32
        %dma_wait3A_279 = tpu.memref_slice %arg4[%add3A, %add3A_127, %dma_wait3A_277, %dma_wait3A_278] : memref<32x128x8x1024xf32, #tpu.memory_space<hbm>> -> memref<1x1x8x1024xf32, #tpu.memory_space<hbm>>
        %dma_wait3A_280 = tpu.memref_squeeze %dma_wait3A_279 : memref<1x1x8x1024xf32, #tpu.memory_space<hbm>> -> memref<8x1024xf32, #tpu.memory_space<hbm>>
        %dma_wait3A_281 = arith.constant 0 : i32
        %dma_wait3A_282 = arith.constant 0 : i32
        %dma_wait3A_283 = tpu.memref_slice %arg4[%add3A, %add3A_127, %dma_wait3A_281, %dma_wait3A_282] : memref<32x128x8x1024xf32, #tpu.memory_space<hbm>> -> memref<1x1x8x1024xf32, #tpu.memory_space<hbm>>
        %dma_wait3A_284 = tpu.memref_squeeze %dma_wait3A_283 : memref<1x1x8x1024xf32, #tpu.memory_space<hbm>> -> memref<8x1024xf32, #tpu.memory_space<hbm>>
        tpu.wait_dma2 semaphore(%run_scoped3A_268 : memref<!tpu.dma_semaphore, #tpu.memory_space<semaphore_mem>>) src(%arg6 : memref<8x1024xf32, #tpu.memory_space<vmem>>) dst(%dma_wait3A_284 : memref<8x1024xf32, #tpu.memory_space<hbm>>)
        tpu.yield
      }) : () -> ()
      %add3A_134 = arith.constant 8 : i32
      %add3A_135 = arith.addi %add3A_127, %add3A_134 : i32
      %dma_start3A_136 = arith.constant 0 : i32
      %dma_start3A_137 = tpu.memref_slice %arg5[%add3A_135, %dma_start3A_136] : memref<128x8xi32, #tpu.memory_space<vmem>> -> memref<1x8xi32, #tpu.memory_space<vmem>>
      %dma_start3A_138 = tpu.memref_squeeze %dma_start3A_137 : memref<1x8xi32, #tpu.memory_space<vmem>> -> memref<8xi32, #tpu.memory_space<vmem>>
      %dma_start3A_139 = arith.constant 0 : i32
      %dma_start3A_140 = arith.constant 0 : i32
      %dma_start3A_141 = tpu.memref_slice %arg2[%dma_start3A_139, %dma_start3A_140] : memref<8192x1024xf32, #tpu.memory_space<hbm>> -> memref<8192x1024xf32, #tpu.memory_space<hbm>>
      tpu.enqueue_indirect_dma source(%dma_start3A_141 : memref<8192x1024xf32, #tpu.memory_space<hbm>>) target(%arg6 : memref<8x1024xf32, #tpu.memory_space<vmem>>) offsets(%dma_start3A_138 : memref<8xi32, #tpu.memory_space<vmem>>) semaphore(%arg14 : memref<!tpu.dma_semaphore, #tpu.memory_space<semaphore_mem>>)
      %mul3A_142 = arith.constant 8 : i32
      %mul3A_143 = arith.muli %scan3A_123, %mul3A_142 : i32
      %add3A_144 = arith.constant 1 : i32
      %add3A_145 = arith.addi %mul3A_143, %add3A_144 : i32
      %dma_wait3A_146 = arith.constant 0 : i32
      %dma_wait3A_147 = tpu.memref_slice %arg5[%add3A_145, %dma_wait3A_146] : memref<128x8xi32, #tpu.memory_space<vmem>> -> memref<1x8xi32, #tpu.memory_space<vmem>>
      %dma_wait3A_148 = tpu.memref_squeeze %dma_wait3A_147 : memref<1x8xi32, #tpu.memory_space<vmem>> -> memref<8xi32, #tpu.memory_space<vmem>>
      %dma_wait3A_149 = arith.constant 0 : i32
      %dma_wait3A_150 = arith.constant 0 : i32
      %dma_wait3A_151 = tpu.memref_slice %arg2[%dma_wait3A_149, %dma_wait3A_150] : memref<8192x1024xf32, #tpu.memory_space<hbm>> -> memref<8192x1024xf32, #tpu.memory_space<hbm>>
      tpu.wait_indirect_dma semaphore(%arg15 : memref<!tpu.dma_semaphore, #tpu.memory_space<semaphore_mem>>) src(%dma_wait3A_151 : memref<8192x1024xf32, #tpu.memory_space<hbm>>) dst(%arg7 : memref<8x1024xf32, #tpu.memory_space<vmem>>)
      "tpu.region"() ({
        %run_scoped3A_268 = tpu.sem_alloc : memref<!tpu.dma_semaphore, #tpu.memory_space<semaphore_mem>>
        %dma_start3A_269 = arith.constant 0 : i32
        %dma_start3A_270 = arith.constant 0 : i32
        %dma_start3A_271 = tpu.memref_slice %arg4[%add3A, %add3A_145, %dma_start3A_269, %dma_start3A_270] : memref<32x128x8x1024xf32, #tpu.memory_space<hbm>> -> memref<1x1x8x1024xf32, #tpu.memory_space<hbm>>
        %dma_start3A_272 = tpu.memref_squeeze %dma_start3A_271 : memref<1x1x8x1024xf32, #tpu.memory_space<hbm>> -> memref<8x1024xf32, #tpu.memory_space<hbm>>
        %dma_start3A_273 = arith.constant 0 : i32
        %dma_start3A_274 = arith.constant 0 : i32
        %dma_start3A_275 = tpu.memref_slice %arg4[%add3A, %add3A_145, %dma_start3A_273, %dma_start3A_274] : memref<32x128x8x1024xf32, #tpu.memory_space<hbm>> -> memref<1x1x8x1024xf32, #tpu.memory_space<hbm>>
        %dma_start3A_276 = tpu.memref_squeeze %dma_start3A_275 : memref<1x1x8x1024xf32, #tpu.memory_space<hbm>> -> memref<8x1024xf32, #tpu.memory_space<hbm>>
        tpu.enqueue_dma source(%arg7 : memref<8x1024xf32, #tpu.memory_space<vmem>>) target(%dma_start3A_276 : memref<8x1024xf32, #tpu.memory_space<hbm>>) target_semaphore(%run_scoped3A_268 : memref<!tpu.dma_semaphore, #tpu.memory_space<semaphore_mem>>)
        %dma_wait3A_277 = arith.constant 0 : i32
        %dma_wait3A_278 = arith.constant 0 : i32
        %dma_wait3A_279 = tpu.memref_slice %arg4[%add3A, %add3A_145, %dma_wait3A_277, %dma_wait3A_278] : memref<32x128x8x1024xf32, #tpu.memory_space<hbm>> -> memref<1x1x8x1024xf32, #tpu.memory_space<hbm>>
        %dma_wait3A_280 = tpu.memref_squeeze %dma_wait3A_279 : memref<1x1x8x1024xf32, #tpu.memory_space<hbm>> -> memref<8x1024xf32, #tpu.memory_space<hbm>>
        %dma_wait3A_281 = arith.constant 0 : i32
        %dma_wait3A_282 = arith.constant 0 : i32
        %dma_wait3A_283 = tpu.memref_slice %arg4[%add3A, %add3A_145, %dma_wait3A_281, %dma_wait3A_282] : memref<32x128x8x1024xf32, #tpu.memory_space<hbm>> -> memref<1x1x8x1024xf32, #tpu.memory_space<hbm>>
        %dma_wait3A_284 = tpu.memref_squeeze %dma_wait3A_283 : memref<1x1x8x1024xf32, #tpu.memory_space<hbm>> -> memref<8x1024xf32, #tpu.memory_space<hbm>>
        tpu.wait_dma2 semaphore(%run_scoped3A_268 : memref<!tpu.dma_semaphore, #tpu.memory_space<semaphore_mem>>) src(%arg7 : memref<8x1024xf32, #tpu.memory_space<vmem>>) dst(%dma_wait3A_284 : memref<8x1024xf32, #tpu.memory_space<hbm>>)
        tpu.yield
      }) : () -> ()
      %add3A_152 = arith.constant 8 : i32
      %add3A_153 = arith.addi %add3A_145, %add3A_152 : i32
      %dma_start3A_154 = arith.constant 0 : i32
      %dma_start3A_155 = tpu.memref_slice %arg5[%add3A_153, %dma_start3A_154] : memref<128x8xi32, #tpu.memory_space<vmem>> -> memref<1x8xi32, #tpu.memory_space<vmem>>
      %dma_start3A_156 = tpu.memref_squeeze %dma_start3A_155 : memref<1x8xi32, #tpu.memory_space<vmem>> -> memref<8xi32, #tpu.memory_space<vmem>>
      %dma_start3A_157 = arith.constant 0 : i32
      %dma_start3A_158 = arith.constant 0 : i32
      %dma_start3A_159 = tpu.memref_slice %arg2[%dma_start3A_157, %dma_start3A_158] : memref<8192x1024xf32, #tpu.memory_space<hbm>> -> memref<8192x1024xf32, #tpu.memory_space<hbm>>
      tpu.enqueue_indirect_dma source(%dma_start3A_159 : memref<8192x1024xf32, #tpu.memory_space<hbm>>) target(%arg7 : memref<8x1024xf32, #tpu.memory_space<vmem>>) offsets(%dma_start3A_156 : memref<8xi32, #tpu.memory_space<vmem>>) semaphore(%arg15 : memref<!tpu.dma_semaphore, #tpu.memory_space<semaphore_mem>>)
      %mul3A_160 = arith.constant 8 : i32
      %mul3A_161 = arith.muli %scan3A_123, %mul3A_160 : i32
      %add3A_162 = arith.constant 2 : i32
      %add3A_163 = arith.addi %mul3A_161, %add3A_162 : i32
      %dma_wait3A_164 = arith.constant 0 : i32
      %dma_wait3A_165 = tpu.memref_slice %arg5[%add3A_163, %dma_wait3A_164] : memref<128x8xi32, #tpu.memory_space<vmem>> -> memref<1x8xi32, #tpu.memory_space<vmem>>
      %dma_wait3A_166 = tpu.memref_squeeze %dma_wait3A_165 : memref<1x8xi32, #tpu.memory_space<vmem>> -> memref<8xi32, #tpu.memory_space<vmem>>
      %dma_wait3A_167 = arith.constant 0 : i32
      %dma_wait3A_168 = arith.constant 0 : i32
      %dma_wait3A_169 = tpu.memref_slice %arg2[%dma_wait3A_167, %dma_wait3A_168] : memref<8192x1024xf32, #tpu.memory_space<hbm>> -> memref<8192x1024xf32, #tpu.memory_space<hbm>>
      tpu.wait_indirect_dma semaphore(%arg16 : memref<!tpu.dma_semaphore, #tpu.memory_space<semaphore_mem>>) src(%dma_wait3A_169 : memref<8192x1024xf32, #tpu.memory_space<hbm>>) dst(%arg8 : memref<8x1024xf32, #tpu.memory_space<vmem>>)
      "tpu.region"() ({
        %run_scoped3A_268 = tpu.sem_alloc : memref<!tpu.dma_semaphore, #tpu.memory_space<semaphore_mem>>
        %dma_start3A_269 = arith.constant 0 : i32
        %dma_start3A_270 = arith.constant 0 : i32
        %dma_start3A_271 = tpu.memref_slice %arg4[%add3A, %add3A_163, %dma_start3A_269, %dma_start3A_270] : memref<32x128x8x1024xf32, #tpu.memory_space<hbm>> -> memref<1x1x8x1024xf32, #tpu.memory_space<hbm>>
        %dma_start3A_272 = tpu.memref_squeeze %dma_start3A_271 : memref<1x1x8x1024xf32, #tpu.memory_space<hbm>> -> memref<8x1024xf32, #tpu.memory_space<hbm>>
        %dma_start3A_273 = arith.constant 0 : i32
        %dma_start3A_274 = arith.constant 0 : i32
        %dma_start3A_275 = tpu.memref_slice %arg4[%add3A, %add3A_163, %dma_start3A_273, %dma_start3A_274] : memref<32x128x8x1024xf32, #tpu.memory_space<hbm>> -> memref<1x1x8x1024xf32, #tpu.memory_space<hbm>>
        %dma_start3A_276 = tpu.memref_squeeze %dma_start3A_275 : memref<1x1x8x1024xf32, #tpu.memory_space<hbm>> -> memref<8x1024xf32, #tpu.memory_space<hbm>>
        tpu.enqueue_dma source(%arg8 : memref<8x1024xf32, #tpu.memory_space<vmem>>) target(%dma_start3A_276 : memref<8x1024xf32, #tpu.memory_space<hbm>>) target_semaphore(%run_scoped3A_268 : memref<!tpu.dma_semaphore, #tpu.memory_space<semaphore_mem>>)
        %dma_wait3A_277 = arith.constant 0 : i32
        %dma_wait3A_278 = arith.constant 0 : i32
        %dma_wait3A_279 = tpu.memref_slice %arg4[%add3A, %add3A_163, %dma_wait3A_277, %dma_wait3A_278] : memref<32x128x8x1024xf32, #tpu.memory_space<hbm>> -> memref<1x1x8x1024xf32, #tpu.memory_space<hbm>>
        %dma_wait3A_280 = tpu.memref_squeeze %dma_wait3A_279 : memref<1x1x8x1024xf32, #tpu.memory_space<hbm>> -> memref<8x1024xf32, #tpu.memory_space<hbm>>
        %dma_wait3A_281 = arith.constant 0 : i32
        %dma_wait3A_282 = arith.constant 0 : i32
        %dma_wait3A_283 = tpu.memref_slice %arg4[%add3A, %add3A_163, %dma_wait3A_281, %dma_wait3A_282] : memref<32x128x8x1024xf32, #tpu.memory_space<hbm>> -> memref<1x1x8x1024xf32, #tpu.memory_space<hbm>>
        %dma_wait3A_284 = tpu.memref_squeeze %dma_wait3A_283 : memref<1x1x8x1024xf32, #tpu.memory_space<hbm>> -> memref<8x1024xf32, #tpu.memory_space<hbm>>
        tpu.wait_dma2 semaphore(%run_scoped3A_268 : memref<!tpu.dma_semaphore, #tpu.memory_space<semaphore_mem>>) src(%arg8 : memref<8x1024xf32, #tpu.memory_space<vmem>>) dst(%dma_wait3A_284 : memref<8x1024xf32, #tpu.memory_space<hbm>>)
        tpu.yield
      }) : () -> ()
      %add3A_170 = arith.constant 8 : i32
      %add3A_171 = arith.addi %add3A_163, %add3A_170 : i32
      %dma_start3A_172 = arith.constant 0 : i32
      %dma_start3A_173 = tpu.memref_slice %arg5[%add3A_171, %dma_start3A_172] : memref<128x8xi32, #tpu.memory_space<vmem>> -> memref<1x8xi32, #tpu.memory_space<vmem>>
      %dma_start3A_174 = tpu.memref_squeeze %dma_start3A_173 : memref<1x8xi32, #tpu.memory_space<vmem>> -> memref<8xi32, #tpu.memory_space<vmem>>
      %dma_start3A_175 = arith.constant 0 : i32
      %dma_start3A_176 = arith.constant 0 : i32
      %dma_start3A_177 = tpu.memref_slice %arg2[%dma_start3A_175, %dma_start3A_176] : memref<8192x1024xf32, #tpu.memory_space<hbm>> -> memref<8192x1024xf32, #tpu.memory_space<hbm>>
      tpu.enqueue_indirect_dma source(%dma_start3A_177 : memref<8192x1024xf32, #tpu.memory_space<hbm>>) target(%arg8 : memref<8x1024xf32, #tpu.memory_space<vmem>>) offsets(%dma_start3A_174 : memref<8xi32, #tpu.memory_space<vmem>>) semaphore(%arg16 : memref<!tpu.dma_semaphore, #tpu.memory_space<semaphore_mem>>)
      %mul3A_178 = arith.constant 8 : i32
      %mul3A_179 = arith.muli %scan3A_123, %mul3A_178 : i32
      %add3A_180 = arith.constant 3 : i32
      %add3A_181 = arith.addi %mul3A_179, %add3A_180 : i32
      %dma_wait3A_182 = arith.constant 0 : i32
      %dma_wait3A_183 = tpu.memref_slice %arg5[%add3A_181, %dma_wait3A_182] : memref<128x8xi32, #tpu.memory_space<vmem>> -> memref<1x8xi32, #tpu.memory_space<vmem>>
      %dma_wait3A_184 = tpu.memref_squeeze %dma_wait3A_183 : memref<1x8xi32, #tpu.memory_space<vmem>> -> memref<8xi32, #tpu.memory_space<vmem>>
      %dma_wait3A_185 = arith.constant 0 : i32
      %dma_wait3A_186 = arith.constant 0 : i32
      %dma_wait3A_187 = tpu.memref_slice %arg2[%dma_wait3A_185, %dma_wait3A_186] : memref<8192x1024xf32, #tpu.memory_space<hbm>> -> memref<8192x1024xf32, #tpu.memory_space<hbm>>
      tpu.wait_indirect_dma semaphore(%arg17 : memref<!tpu.dma_semaphore, #tpu.memory_space<semaphore_mem>>) src(%dma_wait3A_187 : memref<8192x1024xf32, #tpu.memory_space<hbm>>) dst(%arg9 : memref<8x1024xf32, #tpu.memory_space<vmem>>)
      "tpu.region"() ({
        %run_scoped3A_268 = tpu.sem_alloc : memref<!tpu.dma_semaphore, #tpu.memory_space<semaphore_mem>>
        %dma_start3A_269 = arith.constant 0 : i32
        %dma_start3A_270 = arith.constant 0 : i32
        %dma_start3A_271 = tpu.memref_slice %arg4[%add3A, %add3A_181, %dma_start3A_269, %dma_start3A_270] : memref<32x128x8x1024xf32, #tpu.memory_space<hbm>> -> memref<1x1x8x1024xf32, #tpu.memory_space<hbm>>
        %dma_start3A_272 = tpu.memref_squeeze %dma_start3A_271 : memref<1x1x8x1024xf32, #tpu.memory_space<hbm>> -> memref<8x1024xf32, #tpu.memory_space<hbm>>
        %dma_start3A_273 = arith.constant 0 : i32
        %dma_start3A_274 = arith.constant 0 : i32
        %dma_start3A_275 = tpu.memref_slice %arg4[%add3A, %add3A_181, %dma_start3A_273, %dma_start3A_274] : memref<32x128x8x1024xf32, #tpu.memory_space<hbm>> -> memref<1x1x8x1024xf32, #tpu.memory_space<hbm>>
        %dma_start3A_276 = tpu.memref_squeeze %dma_start3A_275 : memref<1x1x8x1024xf32, #tpu.memory_space<hbm>> -> memref<8x1024xf32, #tpu.memory_space<hbm>>
        tpu.enqueue_dma source(%arg9 : memref<8x1024xf32, #tpu.memory_space<vmem>>) target(%dma_start3A_276 : memref<8x1024xf32, #tpu.memory_space<hbm>>) target_semaphore(%run_scoped3A_268 : memref<!tpu.dma_semaphore, #tpu.memory_space<semaphore_mem>>)
        %dma_wait3A_277 = arith.constant 0 : i32
        %dma_wait3A_278 = arith.constant 0 : i32
        %dma_wait3A_279 = tpu.memref_slice %arg4[%add3A, %add3A_181, %dma_wait3A_277, %dma_wait3A_278] : memref<32x128x8x1024xf32, #tpu.memory_space<hbm>> -> memref<1x1x8x1024xf32, #tpu.memory_space<hbm>>
        %dma_wait3A_280 = tpu.memref_squeeze %dma_wait3A_279 : memref<1x1x8x1024xf32, #tpu.memory_space<hbm>> -> memref<8x1024xf32, #tpu.memory_space<hbm>>
        %dma_wait3A_281 = arith.constant 0 : i32
        %dma_wait3A_282 = arith.constant 0 : i32
        %dma_wait3A_283 = tpu.memref_slice %arg4[%add3A, %add3A_181, %dma_wait3A_281, %dma_wait3A_282] : memref<32x128x8x1024xf32, #tpu.memory_space<hbm>> -> memref<1x1x8x1024xf32, #tpu.memory_space<hbm>>
        %dma_wait3A_284 = tpu.memref_squeeze %dma_wait3A_283 : memref<1x1x8x1024xf32, #tpu.memory_space<hbm>> -> memref<8x1024xf32, #tpu.memory_space<hbm>>
        tpu.wait_dma2 semaphore(%run_scoped3A_268 : memref<!tpu.dma_semaphore, #tpu.memory_space<semaphore_mem>>) src(%arg9 : memref<8x1024xf32, #tpu.memory_space<vmem>>) dst(%dma_wait3A_284 : memref<8x1024xf32, #tpu.memory_space<hbm>>)
        tpu.yield
      }) : () -> ()
      %add3A_188 = arith.constant 8 : i32
      %add3A_189 = arith.addi %add3A_181, %add3A_188 : i32
      %dma_start3A_190 = arith.constant 0 : i32
      %dma_start3A_191 = tpu.memref_slice %arg5[%add3A_189, %dma_start3A_190] : memref<128x8xi32, #tpu.memory_space<vmem>> -> memref<1x8xi32, #tpu.memory_space<vmem>>
      %dma_start3A_192 = tpu.memref_squeeze %dma_start3A_191 : memref<1x8xi32, #tpu.memory_space<vmem>> -> memref<8xi32, #tpu.memory_space<vmem>>
      %dma_start3A_193 = arith.constant 0 : i32
      %dma_start3A_194 = arith.constant 0 : i32
      %dma_start3A_195 = tpu.memref_slice %arg2[%dma_start3A_193, %dma_start3A_194] : memref<8192x1024xf32, #tpu.memory_space<hbm>> -> memref<8192x1024xf32, #tpu.memory_space<hbm>>
      tpu.enqueue_indirect_dma source(%dma_start3A_195 : memref<8192x1024xf32, #tpu.memory_space<hbm>>) target(%arg9 : memref<8x1024xf32, #tpu.memory_space<vmem>>) offsets(%dma_start3A_192 : memref<8xi32, #tpu.memory_space<vmem>>) semaphore(%arg17 : memref<!tpu.dma_semaphore, #tpu.memory_space<semaphore_mem>>)
      %mul3A_196 = arith.constant 8 : i32
      %mul3A_197 = arith.muli %scan3A_123, %mul3A_196 : i32
      %add3A_198 = arith.constant 4 : i32
      %add3A_199 = arith.addi %mul3A_197, %add3A_198 : i32
      %dma_wait3A_200 = arith.constant 0 : i32
      %dma_wait3A_201 = tpu.memref_slice %arg5[%add3A_199, %dma_wait3A_200] : memref<128x8xi32, #tpu.memory_space<vmem>> -> memref<1x8xi32, #tpu.memory_space<vmem>>
      %dma_wait3A_202 = tpu.memref_squeeze %dma_wait3A_201 : memref<1x8xi32, #tpu.memory_space<vmem>> -> memref<8xi32, #tpu.memory_space<vmem>>
      %dma_wait3A_203 = arith.constant 0 : i32
      %dma_wait3A_204 = arith.constant 0 : i32
      %dma_wait3A_205 = tpu.memref_slice %arg2[%dma_wait3A_203, %dma_wait3A_204] : memref<8192x1024xf32, #tpu.memory_space<hbm>> -> memref<8192x1024xf32, #tpu.memory_space<hbm>>
      tpu.wait_indirect_dma semaphore(%arg18 : memref<!tpu.dma_semaphore, #tpu.memory_space<semaphore_mem>>) src(%dma_wait3A_205 : memref<8192x1024xf32, #tpu.memory_space<hbm>>) dst(%arg10 : memref<8x1024xf32, #tpu.memory_space<vmem>>)
      "tpu.region"() ({
        %run_scoped3A_268 = tpu.sem_alloc : memref<!tpu.dma_semaphore, #tpu.memory_space<semaphore_mem>>
        %dma_start3A_269 = arith.constant 0 : i32
        %dma_start3A_270 = arith.constant 0 : i32
        %dma_start3A_271 = tpu.memref_slice %arg4[%add3A, %add3A_199, %dma_start3A_269, %dma_start3A_270] : memref<32x128x8x1024xf32, #tpu.memory_space<hbm>> -> memref<1x1x8x1024xf32, #tpu.memory_space<hbm>>
        %dma_start3A_272 = tpu.memref_squeeze %dma_start3A_271 : memref<1x1x8x1024xf32, #tpu.memory_space<hbm>> -> memref<8x1024xf32, #tpu.memory_space<hbm>>
        %dma_start3A_273 = arith.constant 0 : i32
        %dma_start3A_274 = arith.constant 0 : i32
        %dma_start3A_275 = tpu.memref_slice %arg4[%add3A, %add3A_199, %dma_start3A_273, %dma_start3A_274] : memref<32x128x8x1024xf32, #tpu.memory_space<hbm>> -> memref<1x1x8x1024xf32, #tpu.memory_space<hbm>>
        %dma_start3A_276 = tpu.memref_squeeze %dma_start3A_275 : memref<1x1x8x1024xf32, #tpu.memory_space<hbm>> -> memref<8x1024xf32, #tpu.memory_space<hbm>>
        tpu.enqueue_dma source(%arg10 : memref<8x1024xf32, #tpu.memory_space<vmem>>) target(%dma_start3A_276 : memref<8x1024xf32, #tpu.memory_space<hbm>>) target_semaphore(%run_scoped3A_268 : memref<!tpu.dma_semaphore, #tpu.memory_space<semaphore_mem>>)
        %dma_wait3A_277 = arith.constant 0 : i32
        %dma_wait3A_278 = arith.constant 0 : i32
        %dma_wait3A_279 = tpu.memref_slice %arg4[%add3A, %add3A_199, %dma_wait3A_277, %dma_wait3A_278] : memref<32x128x8x1024xf32, #tpu.memory_space<hbm>> -> memref<1x1x8x1024xf32, #tpu.memory_space<hbm>>
        %dma_wait3A_280 = tpu.memref_squeeze %dma_wait3A_279 : memref<1x1x8x1024xf32, #tpu.memory_space<hbm>> -> memref<8x1024xf32, #tpu.memory_space<hbm>>
        %dma_wait3A_281 = arith.constant 0 : i32
        %dma_wait3A_282 = arith.constant 0 : i32
        %dma_wait3A_283 = tpu.memref_slice %arg4[%add3A, %add3A_199, %dma_wait3A_281, %dma_wait3A_282] : memref<32x128x8x1024xf32, #tpu.memory_space<hbm>> -> memref<1x1x8x1024xf32, #tpu.memory_space<hbm>>
        %dma_wait3A_284 = tpu.memref_squeeze %dma_wait3A_283 : memref<1x1x8x1024xf32, #tpu.memory_space<hbm>> -> memref<8x1024xf32, #tpu.memory_space<hbm>>
        tpu.wait_dma2 semaphore(%run_scoped3A_268 : memref<!tpu.dma_semaphore, #tpu.memory_space<semaphore_mem>>) src(%arg10 : memref<8x1024xf32, #tpu.memory_space<vmem>>) dst(%dma_wait3A_284 : memref<8x1024xf32, #tpu.memory_space<hbm>>)
        tpu.yield
      }) : () -> ()
      %add3A_206 = arith.constant 8 : i32
      %add3A_207 = arith.addi %add3A_199, %add3A_206 : i32
      %dma_start3A_208 = arith.constant 0 : i32
      %dma_start3A_209 = tpu.memref_slice %arg5[%add3A_207, %dma_start3A_208] : memref<128x8xi32, #tpu.memory_space<vmem>> -> memref<1x8xi32, #tpu.memory_space<vmem>>
      %dma_start3A_210 = tpu.memref_squeeze %dma_start3A_209 : memref<1x8xi32, #tpu.memory_space<vmem>> -> memref<8xi32, #tpu.memory_space<vmem>>
      %dma_start3A_211 = arith.constant 0 : i32
      %dma_start3A_212 = arith.constant 0 : i32
      %dma_start3A_213 = tpu.memref_slice %arg2[%dma_start3A_211, %dma_start3A_212] : memref<8192x1024xf32, #tpu.memory_space<hbm>> -> memref<8192x1024xf32, #tpu.memory_space<hbm>>
      tpu.enqueue_indirect_dma source(%dma_start3A_213 : memref<8192x1024xf32, #tpu.memory_space<hbm>>) target(%arg10 : memref<8x1024xf32, #tpu.memory_space<vmem>>) offsets(%dma_start3A_210 : memref<8xi32, #tpu.memory_space<vmem>>) semaphore(%arg18 : memref<!tpu.dma_semaphore, #tpu.memory_space<semaphore_mem>>)
      %mul3A_214 = arith.constant 8 : i32
      %mul3A_215 = arith.muli %scan3A_123, %mul3A_214 : i32
      %add3A_216 = arith.constant 5 : i32
      %add3A_217 = arith.addi %mul3A_215, %add3A_216 : i32
      %dma_wait3A_218 = arith.constant 0 : i32
      %dma_wait3A_219 = tpu.memref_slice %arg5[%add3A_217, %dma_wait3A_218] : memref<128x8xi32, #tpu.memory_space<vmem>> -> memref<1x8xi32, #tpu.memory_space<vmem>>
      %dma_wait3A_220 = tpu.memref_squeeze %dma_wait3A_219 : memref<1x8xi32, #tpu.memory_space<vmem>> -> memref<8xi32, #tpu.memory_space<vmem>>
      %dma_wait3A_221 = arith.constant 0 : i32
      %dma_wait3A_222 = arith.constant 0 : i32
      %dma_wait3A_223 = tpu.memref_slice %arg2[%dma_wait3A_221, %dma_wait3A_222] : memref<8192x1024xf32, #tpu.memory_space<hbm>> -> memref<8192x1024xf32, #tpu.memory_space<hbm>>
      tpu.wait_indirect_dma semaphore(%arg19 : memref<!tpu.dma_semaphore, #tpu.memory_space<semaphore_mem>>) src(%dma_wait3A_223 : memref<8192x1024xf32, #tpu.memory_space<hbm>>) dst(%arg11 : memref<8x1024xf32, #tpu.memory_space<vmem>>)
      "tpu.region"() ({
        %run_scoped3A_268 = tpu.sem_alloc : memref<!tpu.dma_semaphore, #tpu.memory_space<semaphore_mem>>
        %dma_start3A_269 = arith.constant 0 : i32
        %dma_start3A_270 = arith.constant 0 : i32
        %dma_start3A_271 = tpu.memref_slice %arg4[%add3A, %add3A_217, %dma_start3A_269, %dma_start3A_270] : memref<32x128x8x1024xf32, #tpu.memory_space<hbm>> -> memref<1x1x8x1024xf32, #tpu.memory_space<hbm>>
        %dma_start3A_272 = tpu.memref_squeeze %dma_start3A_271 : memref<1x1x8x1024xf32, #tpu.memory_space<hbm>> -> memref<8x1024xf32, #tpu.memory_space<hbm>>
        %dma_start3A_273 = arith.constant 0 : i32
        %dma_start3A_274 = arith.constant 0 : i32
        %dma_start3A_275 = tpu.memref_slice %arg4[%add3A, %add3A_217, %dma_start3A_273, %dma_start3A_274] : memref<32x128x8x1024xf32, #tpu.memory_space<hbm>> -> memref<1x1x8x1024xf32, #tpu.memory_space<hbm>>
        %dma_start3A_276 = tpu.memref_squeeze %dma_start3A_275 : memref<1x1x8x1024xf32, #tpu.memory_space<hbm>> -> memref<8x1024xf32, #tpu.memory_space<hbm>>
        tpu.enqueue_dma source(%arg11 : memref<8x1024xf32, #tpu.memory_space<vmem>>) target(%dma_start3A_276 : memref<8x1024xf32, #tpu.memory_space<hbm>>) target_semaphore(%run_scoped3A_268 : memref<!tpu.dma_semaphore, #tpu.memory_space<semaphore_mem>>)
        %dma_wait3A_277 = arith.constant 0 : i32
        %dma_wait3A_278 = arith.constant 0 : i32
        %dma_wait3A_279 = tpu.memref_slice %arg4[%add3A, %add3A_217, %dma_wait3A_277, %dma_wait3A_278] : memref<32x128x8x1024xf32, #tpu.memory_space<hbm>> -> memref<1x1x8x1024xf32, #tpu.memory_space<hbm>>
        %dma_wait3A_280 = tpu.memref_squeeze %dma_wait3A_279 : memref<1x1x8x1024xf32, #tpu.memory_space<hbm>> -> memref<8x1024xf32, #tpu.memory_space<hbm>>
        %dma_wait3A_281 = arith.constant 0 : i32
        %dma_wait3A_282 = arith.constant 0 : i32
        %dma_wait3A_283 = tpu.memref_slice %arg4[%add3A, %add3A_217, %dma_wait3A_281, %dma_wait3A_282] : memref<32x128x8x1024xf32, #tpu.memory_space<hbm>> -> memref<1x1x8x1024xf32, #tpu.memory_space<hbm>>
        %dma_wait3A_284 = tpu.memref_squeeze %dma_wait3A_283 : memref<1x1x8x1024xf32, #tpu.memory_space<hbm>> -> memref<8x1024xf32, #tpu.memory_space<hbm>>
        tpu.wait_dma2 semaphore(%run_scoped3A_268 : memref<!tpu.dma_semaphore, #tpu.memory_space<semaphore_mem>>) src(%arg11 : memref<8x1024xf32, #tpu.memory_space<vmem>>) dst(%dma_wait3A_284 : memref<8x1024xf32, #tpu.memory_space<hbm>>)
        tpu.yield
      }) : () -> ()
      %add3A_224 = arith.constant 8 : i32
      %add3A_225 = arith.addi %add3A_217, %add3A_224 : i32
      %dma_start3A_226 = arith.constant 0 : i32
      %dma_start3A_227 = tpu.memref_slice %arg5[%add3A_225, %dma_start3A_226] : memref<128x8xi32, #tpu.memory_space<vmem>> -> memref<1x8xi32, #tpu.memory_space<vmem>>
      %dma_start3A_228 = tpu.memref_squeeze %dma_start3A_227 : memref<1x8xi32, #tpu.memory_space<vmem>> -> memref<8xi32, #tpu.memory_space<vmem>>
      %dma_start3A_229 = arith.constant 0 : i32
      %dma_start3A_230 = arith.constant 0 : i32
      %dma_start3A_231 = tpu.memref_slice %arg2[%dma_start3A_229, %dma_start3A_230] : memref<8192x1024xf32, #tpu.memory_space<hbm>> -> memref<8192x1024xf32, #tpu.memory_space<hbm>>
      tpu.enqueue_indirect_dma source(%dma_start3A_231 : memref<8192x1024xf32, #tpu.memory_space<hbm>>) target(%arg11 : memref<8x1024xf32, #tpu.memory_space<vmem>>) offsets(%dma_start3A_228 : memref<8xi32, #tpu.memory_space<vmem>>) semaphore(%arg19 : memref<!tpu.dma_semaphore, #tpu.memory_space<semaphore_mem>>)
      %mul3A_232 = arith.constant 8 : i32
      %mul3A_233 = arith.muli %scan3A_123, %mul3A_232 : i32
      %add3A_234 = arith.constant 6 : i32
      %add3A_235 = arith.addi %mul3A_233, %add3A_234 : i32
      %dma_wait3A_236 = arith.constant 0 : i32
      %dma_wait3A_237 = tpu.memref_slice %arg5[%add3A_235, %dma_wait3A_236] : memref<128x8xi32, #tpu.memory_space<vmem>> -> memref<1x8xi32, #tpu.memory_space<vmem>>
      %dma_wait3A_238 = tpu.memref_squeeze %dma_wait3A_237 : memref<1x8xi32, #tpu.memory_space<vmem>> -> memref<8xi32, #tpu.memory_space<vmem>>
      %dma_wait3A_239 = arith.constant 0 : i32
      %dma_wait3A_240 = arith.constant 0 : i32
      %dma_wait3A_241 = tpu.memref_slice %arg2[%dma_wait3A_239, %dma_wait3A_240] : memref<8192x1024xf32, #tpu.memory_space<hbm>> -> memref<8192x1024xf32, #tpu.memory_space<hbm>>
      tpu.wait_indirect_dma semaphore(%arg20 : memref<!tpu.dma_semaphore, #tpu.memory_space<semaphore_mem>>) src(%dma_wait3A_241 : memref<8192x1024xf32, #tpu.memory_space<hbm>>) dst(%arg12 : memref<8x1024xf32, #tpu.memory_space<vmem>>)
      "tpu.region"() ({
        %run_scoped3A_268 = tpu.sem_alloc : memref<!tpu.dma_semaphore, #tpu.memory_space<semaphore_mem>>
        %dma_start3A_269 = arith.constant 0 : i32
        %dma_start3A_270 = arith.constant 0 : i32
        %dma_start3A_271 = tpu.memref_slice %arg4[%add3A, %add3A_235, %dma_start3A_269, %dma_start3A_270] : memref<32x128x8x1024xf32, #tpu.memory_space<hbm>> -> memref<1x1x8x1024xf32, #tpu.memory_space<hbm>>
        %dma_start3A_272 = tpu.memref_squeeze %dma_start3A_271 : memref<1x1x8x1024xf32, #tpu.memory_space<hbm>> -> memref<8x1024xf32, #tpu.memory_space<hbm>>
        %dma_start3A_273 = arith.constant 0 : i32
        %dma_start3A_274 = arith.constant 0 : i32
        %dma_start3A_275 = tpu.memref_slice %arg4[%add3A, %add3A_235, %dma_start3A_273, %dma_start3A_274] : memref<32x128x8x1024xf32, #tpu.memory_space<hbm>> -> memref<1x1x8x1024xf32, #tpu.memory_space<hbm>>
        %dma_start3A_276 = tpu.memref_squeeze %dma_start3A_275 : memref<1x1x8x1024xf32, #tpu.memory_space<hbm>> -> memref<8x1024xf32, #tpu.memory_space<hbm>>
        tpu.enqueue_dma source(%arg12 : memref<8x1024xf32, #tpu.memory_space<vmem>>) target(%dma_start3A_276 : memref<8x1024xf32, #tpu.memory_space<hbm>>) target_semaphore(%run_scoped3A_268 : memref<!tpu.dma_semaphore, #tpu.memory_space<semaphore_mem>>)
        %dma_wait3A_277 = arith.constant 0 : i32
        %dma_wait3A_278 = arith.constant 0 : i32
        %dma_wait3A_279 = tpu.memref_slice %arg4[%add3A, %add3A_235, %dma_wait3A_277, %dma_wait3A_278] : memref<32x128x8x1024xf32, #tpu.memory_space<hbm>> -> memref<1x1x8x1024xf32, #tpu.memory_space<hbm>>
        %dma_wait3A_280 = tpu.memref_squeeze %dma_wait3A_279 : memref<1x1x8x1024xf32, #tpu.memory_space<hbm>> -> memref<8x1024xf32, #tpu.memory_space<hbm>>
        %dma_wait3A_281 = arith.constant 0 : i32
        %dma_wait3A_282 = arith.constant 0 : i32
        %dma_wait3A_283 = tpu.memref_slice %arg4[%add3A, %add3A_235, %dma_wait3A_281, %dma_wait3A_282] : memref<32x128x8x1024xf32, #tpu.memory_space<hbm>> -> memref<1x1x8x1024xf32, #tpu.memory_space<hbm>>
        %dma_wait3A_284 = tpu.memref_squeeze %dma_wait3A_283 : memref<1x1x8x1024xf32, #tpu.memory_space<hbm>> -> memref<8x1024xf32, #tpu.memory_space<hbm>>
        tpu.wait_dma2 semaphore(%run_scoped3A_268 : memref<!tpu.dma_semaphore, #tpu.memory_space<semaphore_mem>>) src(%arg12 : memref<8x1024xf32, #tpu.memory_space<vmem>>) dst(%dma_wait3A_284 : memref<8x1024xf32, #tpu.memory_space<hbm>>)
        tpu.yield
      }) : () -> ()
      %add3A_242 = arith.constant 8 : i32
      %add3A_243 = arith.addi %add3A_235, %add3A_242 : i32
      %dma_start3A_244 = arith.constant 0 : i32
      %dma_start3A_245 = tpu.memref_slice %arg5[%add3A_243, %dma_start3A_244] : memref<128x8xi32, #tpu.memory_space<vmem>> -> memref<1x8xi32, #tpu.memory_space<vmem>>
      %dma_start3A_246 = tpu.memref_squeeze %dma_start3A_245 : memref<1x8xi32, #tpu.memory_space<vmem>> -> memref<8xi32, #tpu.memory_space<vmem>>
      %dma_start3A_247 = arith.constant 0 : i32
      %dma_start3A_248 = arith.constant 0 : i32
      %dma_start3A_249 = tpu.memref_slice %arg2[%dma_start3A_247, %dma_start3A_248] : memref<8192x1024xf32, #tpu.memory_space<hbm>> -> memref<8192x1024xf32, #tpu.memory_space<hbm>>
      tpu.enqueue_indirect_dma source(%dma_start3A_249 : memref<8192x1024xf32, #tpu.memory_space<hbm>>) target(%arg12 : memref<8x1024xf32, #tpu.memory_space<vmem>>) offsets(%dma_start3A_246 : memref<8xi32, #tpu.memory_space<vmem>>) semaphore(%arg20 : memref<!tpu.dma_semaphore, #tpu.memory_space<semaphore_mem>>)
      %mul3A_250 = arith.constant 8 : i32
      %mul3A_251 = arith.muli %scan3A_123, %mul3A_250 : i32
      %add3A_252 = arith.constant 7 : i32
      %add3A_253 = arith.addi %mul3A_251, %add3A_252 : i32
      %dma_wait3A_254 = arith.constant 0 : i32
      %dma_wait3A_255 = tpu.memref_slice %arg5[%add3A_253, %dma_wait3A_254] : memref<128x8xi32, #tpu.memory_space<vmem>> -> memref<1x8xi32, #tpu.memory_space<vmem>>
      %dma_wait3A_256 = tpu.memref_squeeze %dma_wait3A_255 : memref<1x8xi32, #tpu.memory_space<vmem>> -> memref<8xi32, #tpu.memory_space<vmem>>
      %dma_wait3A_257 = arith.constant 0 : i32
      %dma_wait3A_258 = arith.constant 0 : i32
      %dma_wait3A_259 = tpu.memref_slice %arg2[%dma_wait3A_257, %dma_wait3A_258] : memref<8192x1024xf32, #tpu.memory_space<hbm>> -> memref<8192x1024xf32, #tpu.memory_space<hbm>>
      tpu.wait_indirect_dma semaphore(%arg21 : memref<!tpu.dma_semaphore, #tpu.memory_space<semaphore_mem>>) src(%dma_wait3A_259 : memref<8192x1024xf32, #tpu.memory_space<hbm>>) dst(%arg13 : memref<8x1024xf32, #tpu.memory_space<vmem>>)
      "tpu.region"() ({
        %run_scoped3A_268 = tpu.sem_alloc : memref<!tpu.dma_semaphore, #tpu.memory_space<semaphore_mem>>
        %dma_start3A_269 = arith.constant 0 : i32
        %dma_start3A_270 = arith.constant 0 : i32
        %dma_start3A_271 = tpu.memref_slice %arg4[%add3A, %add3A_253, %dma_start3A_269, %dma_start3A_270] : memref<32x128x8x1024xf32, #tpu.memory_space<hbm>> -> memref<1x1x8x1024xf32, #tpu.memory_space<hbm>>
        %dma_start3A_272 = tpu.memref_squeeze %dma_start3A_271 : memref<1x1x8x1024xf32, #tpu.memory_space<hbm>> -> memref<8x1024xf32, #tpu.memory_space<hbm>>
        %dma_start3A_273 = arith.constant 0 : i32
        %dma_start3A_274 = arith.constant 0 : i32
        %dma_start3A_275 = tpu.memref_slice %arg4[%add3A, %add3A_253, %dma_start3A_273, %dma_start3A_274] : memref<32x128x8x1024xf32, #tpu.memory_space<hbm>> -> memref<1x1x8x1024xf32, #tpu.memory_space<hbm>>
        %dma_start3A_276 = tpu.memref_squeeze %dma_start3A_275 : memref<1x1x8x1024xf32, #tpu.memory_space<hbm>> -> memref<8x1024xf32, #tpu.memory_space<hbm>>
        tpu.enqueue_dma source(%arg13 : memref<8x1024xf32, #tpu.memory_space<vmem>>) target(%dma_start3A_276 : memref<8x1024xf32, #tpu.memory_space<hbm>>) target_semaphore(%run_scoped3A_268 : memref<!tpu.dma_semaphore, #tpu.memory_space<semaphore_mem>>)
        %dma_wait3A_277 = arith.constant 0 : i32
        %dma_wait3A_278 = arith.constant 0 : i32
        %dma_wait3A_279 = tpu.memref_slice %arg4[%add3A, %add3A_253, %dma_wait3A_277, %dma_wait3A_278] : memref<32x128x8x1024xf32, #tpu.memory_space<hbm>> -> memref<1x1x8x1024xf32, #tpu.memory_space<hbm>>
        %dma_wait3A_280 = tpu.memref_squeeze %dma_wait3A_279 : memref<1x1x8x1024xf32, #tpu.memory_space<hbm>> -> memref<8x1024xf32, #tpu.memory_space<hbm>>
        %dma_wait3A_281 = arith.constant 0 : i32
        %dma_wait3A_282 = arith.constant 0 : i32
        %dma_wait3A_283 = tpu.memref_slice %arg4[%add3A, %add3A_253, %dma_wait3A_281, %dma_wait3A_282] : memref<32x128x8x1024xf32, #tpu.memory_space<hbm>> -> memref<1x1x8x1024xf32, #tpu.memory_space<hbm>>
        %dma_wait3A_284 = tpu.memref_squeeze %dma_wait3A_283 : memref<1x1x8x1024xf32, #tpu.memory_space<hbm>> -> memref<8x1024xf32, #tpu.memory_space<hbm>>
        tpu.wait_dma2 semaphore(%run_scoped3A_268 : memref<!tpu.dma_semaphore, #tpu.memory_space<semaphore_mem>>) src(%arg13 : memref<8x1024xf32, #tpu.memory_space<vmem>>) dst(%dma_wait3A_284 : memref<8x1024xf32, #tpu.memory_space<hbm>>)
        tpu.yield
      }) : () -> ()
      %add3A_260 = arith.constant 8 : i32
      %add3A_261 = arith.addi %add3A_253, %add3A_260 : i32
      %dma_start3A_262 = arith.constant 0 : i32
      %dma_start3A_263 = tpu.memref_slice %arg5[%add3A_261, %dma_start3A_262] : memref<128x8xi32, #tpu.memory_space<vmem>> -> memref<1x8xi32, #tpu.memory_space<vmem>>
      %dma_start3A_264 = tpu.memref_squeeze %dma_start3A_263 : memref<1x8xi32, #tpu.memory_space<vmem>> -> memref<8xi32, #tpu.memory_space<vmem>>
      %dma_start3A_265 = arith.constant 0 : i32
      %dma_start3A_266 = arith.constant 0 : i32
      %dma_start3A_267 = tpu.memref_slice %arg2[%dma_start3A_265, %dma_start3A_266] : memref<8192x1024xf32, #tpu.memory_space<hbm>> -> memref<8192x1024xf32, #tpu.memory_space<hbm>>
      tpu.enqueue_indirect_dma source(%dma_start3A_267 : memref<8192x1024xf32, #tpu.memory_space<hbm>>) target(%arg13 : memref<8x1024xf32, #tpu.memory_space<vmem>>) offsets(%dma_start3A_264 : memref<8xi32, #tpu.memory_space<vmem>>) semaphore(%arg21 : memref<!tpu.dma_semaphore, #tpu.memory_space<semaphore_mem>>)
    }
    %scan3A_60 = arith.constant 15 : i32
    %dma_wait3A = arith.constant 120 : i32
    %dma_wait3A_61 = arith.constant 0 : i32
    %dma_wait3A_62 = tpu.memref_slice %arg5[%dma_wait3A, %dma_wait3A_61] : memref<128x8xi32, #tpu.memory_space<vmem>> -> memref<1x8xi32, #tpu.memory_space<vmem>>
    %dma_wait3A_63 = tpu.memref_squeeze %dma_wait3A_62 : memref<1x8xi32, #tpu.memory_space<vmem>> -> memref<8xi32, #tpu.memory_space<vmem>>
    %dma_wait3A_64 = arith.constant 0 : i32
    %dma_wait3A_65 = arith.constant 0 : i32
    %dma_wait3A_66 = tpu.memref_slice %arg2[%dma_wait3A_64, %dma_wait3A_65] : memref<8192x1024xf32, #tpu.memory_space<hbm>> -> memref<8192x1024xf32, #tpu.memory_space<hbm>>
    tpu.wait_indirect_dma semaphore(%arg14 : memref<!tpu.dma_semaphore, #tpu.memory_space<semaphore_mem>>) src(%dma_wait3A_66 : memref<8192x1024xf32, #tpu.memory_space<hbm>>) dst(%arg6 : memref<8x1024xf32, #tpu.memory_space<vmem>>)
    %run_scoped3A = arith.constant 120 : i32
    "tpu.region"() ({
      %run_scoped3A_123 = tpu.sem_alloc : memref<!tpu.dma_semaphore, #tpu.memory_space<semaphore_mem>>
      %dma_start3A_124 = arith.constant 0 : i32
      %dma_start3A_125 = arith.constant 0 : i32
      %dma_start3A_126 = tpu.memref_slice %arg4[%add3A, %run_scoped3A, %dma_start3A_124, %dma_start3A_125] : memref<32x128x8x1024xf32, #tpu.memory_space<hbm>> -> memref<1x1x8x1024xf32, #tpu.memory_space<hbm>>
      %dma_start3A_127 = tpu.memref_squeeze %dma_start3A_126 : memref<1x1x8x1024xf32, #tpu.memory_space<hbm>> -> memref<8x1024xf32, #tpu.memory_space<hbm>>
      %dma_start3A_128 = arith.constant 0 : i32
      %dma_start3A_129 = arith.constant 0 : i32
      %dma_start3A_130 = tpu.memref_slice %arg4[%add3A, %run_scoped3A, %dma_start3A_128, %dma_start3A_129] : memref<32x128x8x1024xf32, #tpu.memory_space<hbm>> -> memref<1x1x8x1024xf32, #tpu.memory_space<hbm>>
      %dma_start3A_131 = tpu.memref_squeeze %dma_start3A_130 : memref<1x1x8x1024xf32, #tpu.memory_space<hbm>> -> memref<8x1024xf32, #tpu.memory_space<hbm>>
      tpu.enqueue_dma source(%arg6 : memref<8x1024xf32, #tpu.memory_space<vmem>>) target(%dma_start3A_131 : memref<8x1024xf32, #tpu.memory_space<hbm>>) target_semaphore(%run_scoped3A_123 : memref<!tpu.dma_semaphore, #tpu.memory_space<semaphore_mem>>)
      %dma_wait3A_132 = arith.constant 0 : i32
      %dma_wait3A_133 = arith.constant 0 : i32
      %dma_wait3A_134 = tpu.memref_slice %arg4[%add3A, %run_scoped3A, %dma_wait3A_132, %dma_wait3A_133] : memref<32x128x8x1024xf32, #tpu.memory_space<hbm>> -> memref<1x1x8x1024xf32, #tpu.memory_space<hbm>>
      %dma_wait3A_135 = tpu.memref_squeeze %dma_wait3A_134 : memref<1x1x8x1024xf32, #tpu.memory_space<hbm>> -> memref<8x1024xf32, #tpu.memory_space<hbm>>
      %dma_wait3A_136 = arith.constant 0 : i32
      %dma_wait3A_137 = arith.constant 0 : i32
      %dma_wait3A_138 = tpu.memref_slice %arg4[%add3A, %run_scoped3A, %dma_wait3A_136, %dma_wait3A_137] : memref<32x128x8x1024xf32, #tpu.memory_space<hbm>> -> memref<1x1x8x1024xf32, #tpu.memory_space<hbm>>
      %dma_wait3A_139 = tpu.memref_squeeze %dma_wait3A_138 : memref<1x1x8x1024xf32, #tpu.memory_space<hbm>> -> memref<8x1024xf32, #tpu.memory_space<hbm>>
      tpu.wait_dma2 semaphore(%run_scoped3A_123 : memref<!tpu.dma_semaphore, #tpu.memory_space<semaphore_mem>>) src(%arg6 : memref<8x1024xf32, #tpu.memory_space<vmem>>) dst(%dma_wait3A_139 : memref<8x1024xf32, #tpu.memory_space<hbm>>)
      tpu.yield
    }) : () -> ()
    %dma_wait3A_67 = arith.constant 121 : i32
    %dma_wait3A_68 = arith.constant 0 : i32
    %dma_wait3A_69 = tpu.memref_slice %arg5[%dma_wait3A_67, %dma_wait3A_68] : memref<128x8xi32, #tpu.memory_space<vmem>> -> memref<1x8xi32, #tpu.memory_space<vmem>>
    %dma_wait3A_70 = tpu.memref_squeeze %dma_wait3A_69 : memref<1x8xi32, #tpu.memory_space<vmem>> -> memref<8xi32, #tpu.memory_space<vmem>>
    %dma_wait3A_71 = arith.constant 0 : i32
    %dma_wait3A_72 = arith.constant 0 : i32
    %dma_wait3A_73 = tpu.memref_slice %arg2[%dma_wait3A_71, %dma_wait3A_72] : memref<8192x1024xf32, #tpu.memory_space<hbm>> -> memref<8192x1024xf32, #tpu.memory_space<hbm>>
    tpu.wait_indirect_dma semaphore(%arg15 : memref<!tpu.dma_semaphore, #tpu.memory_space<semaphore_mem>>) src(%dma_wait3A_73 : memref<8192x1024xf32, #tpu.memory_space<hbm>>) dst(%arg7 : memref<8x1024xf32, #tpu.memory_space<vmem>>)
    %run_scoped3A_74 = arith.constant 121 : i32
    "tpu.region"() ({
      %run_scoped3A_123 = tpu.sem_alloc : memref<!tpu.dma_semaphore, #tpu.memory_space<semaphore_mem>>
      %dma_start3A_124 = arith.constant 0 : i32
      %dma_start3A_125 = arith.constant 0 : i32
      %dma_start3A_126 = tpu.memref_slice %arg4[%add3A, %run_scoped3A_74, %dma_start3A_124, %dma_start3A_125] : memref<32x128x8x1024xf32, #tpu.memory_space<hbm>> -> memref<1x1x8x1024xf32, #tpu.memory_space<hbm>>
      %dma_start3A_127 = tpu.memref_squeeze %dma_start3A_126 : memref<1x1x8x1024xf32, #tpu.memory_space<hbm>> -> memref<8x1024xf32, #tpu.memory_space<hbm>>
      %dma_start3A_128 = arith.constant 0 : i32
      %dma_start3A_129 = arith.constant 0 : i32
      %dma_start3A_130 = tpu.memref_slice %arg4[%add3A, %run_scoped3A_74, %dma_start3A_128, %dma_start3A_129] : memref<32x128x8x1024xf32, #tpu.memory_space<hbm>> -> memref<1x1x8x1024xf32, #tpu.memory_space<hbm>>
      %dma_start3A_131 = tpu.memref_squeeze %dma_start3A_130 : memref<1x1x8x1024xf32, #tpu.memory_space<hbm>> -> memref<8x1024xf32, #tpu.memory_space<hbm>>
      tpu.enqueue_dma source(%arg7 : memref<8x1024xf32, #tpu.memory_space<vmem>>) target(%dma_start3A_131 : memref<8x1024xf32, #tpu.memory_space<hbm>>) target_semaphore(%run_scoped3A_123 : memref<!tpu.dma_semaphore, #tpu.memory_space<semaphore_mem>>)
      %dma_wait3A_132 = arith.constant 0 : i32
      %dma_wait3A_133 = arith.constant 0 : i32
      %dma_wait3A_134 = tpu.memref_slice %arg4[%add3A, %run_scoped3A_74, %dma_wait3A_132, %dma_wait3A_133] : memref<32x128x8x1024xf32, #tpu.memory_space<hbm>> -> memref<1x1x8x1024xf32, #tpu.memory_space<hbm>>
      %dma_wait3A_135 = tpu.memref_squeeze %dma_wait3A_134 : memref<1x1x8x1024xf32, #tpu.memory_space<hbm>> -> memref<8x1024xf32, #tpu.memory_space<hbm>>
      %dma_wait3A_136 = arith.constant 0 : i32
      %dma_wait3A_137 = arith.constant 0 : i32
      %dma_wait3A_138 = tpu.memref_slice %arg4[%add3A, %run_scoped3A_74, %dma_wait3A_136, %dma_wait3A_137] : memref<32x128x8x1024xf32, #tpu.memory_space<hbm>> -> memref<1x1x8x1024xf32, #tpu.memory_space<hbm>>
      %dma_wait3A_139 = tpu.memref_squeeze %dma_wait3A_138 : memref<1x1x8x1024xf32, #tpu.memory_space<hbm>> -> memref<8x1024xf32, #tpu.memory_space<hbm>>
      tpu.wait_dma2 semaphore(%run_scoped3A_123 : memref<!tpu.dma_semaphore, #tpu.memory_space<semaphore_mem>>) src(%arg7 : memref<8x1024xf32, #tpu.memory_space<vmem>>) dst(%dma_wait3A_139 : memref<8x1024xf32, #tpu.memory_space<hbm>>)
      tpu.yield
    }) : () -> ()
    %dma_wait3A_75 = arith.constant 122 : i32
    %dma_wait3A_76 = arith.constant 0 : i32
    %dma_wait3A_77 = tpu.memref_slice %arg5[%dma_wait3A_75, %dma_wait3A_76] : memref<128x8xi32, #tpu.memory_space<vmem>> -> memref<1x8xi32, #tpu.memory_space<vmem>>
    %dma_wait3A_78 = tpu.memref_squeeze %dma_wait3A_77 : memref<1x8xi32, #tpu.memory_space<vmem>> -> memref<8xi32, #tpu.memory_space<vmem>>
    %dma_wait3A_79 = arith.constant 0 : i32
    %dma_wait3A_80 = arith.constant 0 : i32
    %dma_wait3A_81 = tpu.memref_slice %arg2[%dma_wait3A_79, %dma_wait3A_80] : memref<8192x1024xf32, #tpu.memory_space<hbm>> -> memref<8192x1024xf32, #tpu.memory_space<hbm>>
    tpu.wait_indirect_dma semaphore(%arg16 : memref<!tpu.dma_semaphore, #tpu.memory_space<semaphore_mem>>) src(%dma_wait3A_81 : memref<8192x1024xf32, #tpu.memory_space<hbm>>) dst(%arg8 : memref<8x1024xf32, #tpu.memory_space<vmem>>)
    %run_scoped3A_82 = arith.constant 122 : i32
    "tpu.region"() ({
      %run_scoped3A_123 = tpu.sem_alloc : memref<!tpu.dma_semaphore, #tpu.memory_space<semaphore_mem>>
      %dma_start3A_124 = arith.constant 0 : i32
      %dma_start3A_125 = arith.constant 0 : i32
      %dma_start3A_126 = tpu.memref_slice %arg4[%add3A, %run_scoped3A_82, %dma_start3A_124, %dma_start3A_125] : memref<32x128x8x1024xf32, #tpu.memory_space<hbm>> -> memref<1x1x8x1024xf32, #tpu.memory_space<hbm>>
      %dma_start3A_127 = tpu.memref_squeeze %dma_start3A_126 : memref<1x1x8x1024xf32, #tpu.memory_space<hbm>> -> memref<8x1024xf32, #tpu.memory_space<hbm>>
      %dma_start3A_128 = arith.constant 0 : i32
      %dma_start3A_129 = arith.constant 0 : i32
      %dma_start3A_130 = tpu.memref_slice %arg4[%add3A, %run_scoped3A_82, %dma_start3A_128, %dma_start3A_129] : memref<32x128x8x1024xf32, #tpu.memory_space<hbm>> -> memref<1x1x8x1024xf32, #tpu.memory_space<hbm>>
      %dma_start3A_131 = tpu.memref_squeeze %dma_start3A_130 : memref<1x1x8x1024xf32, #tpu.memory_space<hbm>> -> memref<8x1024xf32, #tpu.memory_space<hbm>>
      tpu.enqueue_dma source(%arg8 : memref<8x1024xf32, #tpu.memory_space<vmem>>) target(%dma_start3A_131 : memref<8x1024xf32, #tpu.memory_space<hbm>>) target_semaphore(%run_scoped3A_123 : memref<!tpu.dma_semaphore, #tpu.memory_space<semaphore_mem>>)
      %dma_wait3A_132 = arith.constant 0 : i32
      %dma_wait3A_133 = arith.constant 0 : i32
      %dma_wait3A_134 = tpu.memref_slice %arg4[%add3A, %run_scoped3A_82, %dma_wait3A_132, %dma_wait3A_133] : memref<32x128x8x1024xf32, #tpu.memory_space<hbm>> -> memref<1x1x8x1024xf32, #tpu.memory_space<hbm>>
      %dma_wait3A_135 = tpu.memref_squeeze %dma_wait3A_134 : memref<1x1x8x1024xf32, #tpu.memory_space<hbm>> -> memref<8x1024xf32, #tpu.memory_space<hbm>>
      %dma_wait3A_136 = arith.constant 0 : i32
      %dma_wait3A_137 = arith.constant 0 : i32
      %dma_wait3A_138 = tpu.memref_slice %arg4[%add3A, %run_scoped3A_82, %dma_wait3A_136, %dma_wait3A_137] : memref<32x128x8x1024xf32, #tpu.memory_space<hbm>> -> memref<1x1x8x1024xf32, #tpu.memory_space<hbm>>
      %dma_wait3A_139 = tpu.memref_squeeze %dma_wait3A_138 : memref<1x1x8x1024xf32, #tpu.memory_space<hbm>> -> memref<8x1024xf32, #tpu.memory_space<hbm>>
      tpu.wait_dma2 semaphore(%run_scoped3A_123 : memref<!tpu.dma_semaphore, #tpu.memory_space<semaphore_mem>>) src(%arg8 : memref<8x1024xf32, #tpu.memory_space<vmem>>) dst(%dma_wait3A_139 : memref<8x1024xf32, #tpu.memory_space<hbm>>)
      tpu.yield
    }) : () -> ()
    %dma_wait3A_83 = arith.constant 123 : i32
    %dma_wait3A_84 = arith.constant 0 : i32
    %dma_wait3A_85 = tpu.memref_slice %arg5[%dma_wait3A_83, %dma_wait3A_84] : memref<128x8xi32, #tpu.memory_space<vmem>> -> memref<1x8xi32, #tpu.memory_space<vmem>>
    %dma_wait3A_86 = tpu.memref_squeeze %dma_wait3A_85 : memref<1x8xi32, #tpu.memory_space<vmem>> -> memref<8xi32, #tpu.memory_space<vmem>>
    %dma_wait3A_87 = arith.constant 0 : i32
    %dma_wait3A_88 = arith.constant 0 : i32
    %dma_wait3A_89 = tpu.memref_slice %arg2[%dma_wait3A_87, %dma_wait3A_88] : memref<8192x1024xf32, #tpu.memory_space<hbm>> -> memref<8192x1024xf32, #tpu.memory_space<hbm>>
    tpu.wait_indirect_dma semaphore(%arg17 : memref<!tpu.dma_semaphore, #tpu.memory_space<semaphore_mem>>) src(%dma_wait3A_89 : memref<8192x1024xf32, #tpu.memory_space<hbm>>) dst(%arg9 : memref<8x1024xf32, #tpu.memory_space<vmem>>)
    %run_scoped3A_90 = arith.constant 123 : i32
    "tpu.region"() ({
      %run_scoped3A_123 = tpu.sem_alloc : memref<!tpu.dma_semaphore, #tpu.memory_space<semaphore_mem>>
      %dma_start3A_124 = arith.constant 0 : i32
      %dma_start3A_125 = arith.constant 0 : i32
      %dma_start3A_126 = tpu.memref_slice %arg4[%add3A, %run_scoped3A_90, %dma_start3A_124, %dma_start3A_125] : memref<32x128x8x1024xf32, #tpu.memory_space<hbm>> -> memref<1x1x8x1024xf32, #tpu.memory_space<hbm>>
      %dma_start3A_127 = tpu.memref_squeeze %dma_start3A_126 : memref<1x1x8x1024xf32, #tpu.memory_space<hbm>> -> memref<8x1024xf32, #tpu.memory_space<hbm>>
      %dma_start3A_128 = arith.constant 0 : i32
      %dma_start3A_129 = arith.constant 0 : i32
      %dma_start3A_130 = tpu.memref_slice %arg4[%add3A, %run_scoped3A_90, %dma_start3A_128, %dma_start3A_129] : memref<32x128x8x1024xf32, #tpu.memory_space<hbm>> -> memref<1x1x8x1024xf32, #tpu.memory_space<hbm>>
      %dma_start3A_131 = tpu.memref_squeeze %dma_start3A_130 : memref<1x1x8x1024xf32, #tpu.memory_space<hbm>> -> memref<8x1024xf32, #tpu.memory_space<hbm>>
      tpu.enqueue_dma source(%arg9 : memref<8x1024xf32, #tpu.memory_space<vmem>>) target(%dma_start3A_131 : memref<8x1024xf32, #tpu.memory_space<hbm>>) target_semaphore(%run_scoped3A_123 : memref<!tpu.dma_semaphore, #tpu.memory_space<semaphore_mem>>)
      %dma_wait3A_132 = arith.constant 0 : i32
      %dma_wait3A_133 = arith.constant 0 : i32
      %dma_wait3A_134 = tpu.memref_slice %arg4[%add3A, %run_scoped3A_90, %dma_wait3A_132, %dma_wait3A_133] : memref<32x128x8x1024xf32, #tpu.memory_space<hbm>> -> memref<1x1x8x1024xf32, #tpu.memory_space<hbm>>
      %dma_wait3A_135 = tpu.memref_squeeze %dma_wait3A_134 : memref<1x1x8x1024xf32, #tpu.memory_space<hbm>> -> memref<8x1024xf32, #tpu.memory_space<hbm>>
      %dma_wait3A_136 = arith.constant 0 : i32
      %dma_wait3A_137 = arith.constant 0 : i32
      %dma_wait3A_138 = tpu.memref_slice %arg4[%add3A, %run_scoped3A_90, %dma_wait3A_136, %dma_wait3A_137] : memref<32x128x8x1024xf32, #tpu.memory_space<hbm>> -> memref<1x1x8x1024xf32, #tpu.memory_space<hbm>>
      %dma_wait3A_139 = tpu.memref_squeeze %dma_wait3A_138 : memref<1x1x8x1024xf32, #tpu.memory_space<hbm>> -> memref<8x1024xf32, #tpu.memory_space<hbm>>
      tpu.wait_dma2 semaphore(%run_scoped3A_123 : memref<!tpu.dma_semaphore, #tpu.memory_space<semaphore_mem>>) src(%arg9 : memref<8x1024xf32, #tpu.memory_space<vmem>>) dst(%dma_wait3A_139 : memref<8x1024xf32, #tpu.memory_space<hbm>>)
      tpu.yield
    }) : () -> ()
    %dma_wait3A_91 = arith.constant 124 : i32
    %dma_wait3A_92 = arith.constant 0 : i32
    %dma_wait3A_93 = tpu.memref_slice %arg5[%dma_wait3A_91, %dma_wait3A_92] : memref<128x8xi32, #tpu.memory_space<vmem>> -> memref<1x8xi32, #tpu.memory_space<vmem>>
    %dma_wait3A_94 = tpu.memref_squeeze %dma_wait3A_93 : memref<1x8xi32, #tpu.memory_space<vmem>> -> memref<8xi32, #tpu.memory_space<vmem>>
    %dma_wait3A_95 = arith.constant 0 : i32
    %dma_wait3A_96 = arith.constant 0 : i32
    %dma_wait3A_97 = tpu.memref_slice %arg2[%dma_wait3A_95, %dma_wait3A_96] : memref<8192x1024xf32, #tpu.memory_space<hbm>> -> memref<8192x1024xf32, #tpu.memory_space<hbm>>
    tpu.wait_indirect_dma semaphore(%arg18 : memref<!tpu.dma_semaphore, #tpu.memory_space<semaphore_mem>>) src(%dma_wait3A_97 : memref<8192x1024xf32, #tpu.memory_space<hbm>>) dst(%arg10 : memref<8x1024xf32, #tpu.memory_space<vmem>>)
    %run_scoped3A_98 = arith.constant 124 : i32
    "tpu.region"() ({
      %run_scoped3A_123 = tpu.sem_alloc : memref<!tpu.dma_semaphore, #tpu.memory_space<semaphore_mem>>
      %dma_start3A_124 = arith.constant 0 : i32
      %dma_start3A_125 = arith.constant 0 : i32
      %dma_start3A_126 = tpu.memref_slice %arg4[%add3A, %run_scoped3A_98, %dma_start3A_124, %dma_start3A_125] : memref<32x128x8x1024xf32, #tpu.memory_space<hbm>> -> memref<1x1x8x1024xf32, #tpu.memory_space<hbm>>
      %dma_start3A_127 = tpu.memref_squeeze %dma_start3A_126 : memref<1x1x8x1024xf32, #tpu.memory_space<hbm>> -> memref<8x1024xf32, #tpu.memory_space<hbm>>
      %dma_start3A_128 = arith.constant 0 : i32
      %dma_start3A_129 = arith.constant 0 : i32
      %dma_start3A_130 = tpu.memref_slice %arg4[%add3A, %run_scoped3A_98, %dma_start3A_128, %dma_start3A_129] : memref<32x128x8x1024xf32, #tpu.memory_space<hbm>> -> memref<1x1x8x1024xf32, #tpu.memory_space<hbm>>
      %dma_start3A_131 = tpu.memref_squeeze %dma_start3A_130 : memref<1x1x8x1024xf32, #tpu.memory_space<hbm>> -> memref<8x1024xf32, #tpu.memory_space<hbm>>
      tpu.enqueue_dma source(%arg10 : memref<8x1024xf32, #tpu.memory_space<vmem>>) target(%dma_start3A_131 : memref<8x1024xf32, #tpu.memory_space<hbm>>) target_semaphore(%run_scoped3A_123 : memref<!tpu.dma_semaphore, #tpu.memory_space<semaphore_mem>>)
      %dma_wait3A_132 = arith.constant 0 : i32
      %dma_wait3A_133 = arith.constant 0 : i32
      %dma_wait3A_134 = tpu.memref_slice %arg4[%add3A, %run_scoped3A_98, %dma_wait3A_132, %dma_wait3A_133] : memref<32x128x8x1024xf32, #tpu.memory_space<hbm>> -> memref<1x1x8x1024xf32, #tpu.memory_space<hbm>>
      %dma_wait3A_135 = tpu.memref_squeeze %dma_wait3A_134 : memref<1x1x8x1024xf32, #tpu.memory_space<hbm>> -> memref<8x1024xf32, #tpu.memory_space<hbm>>
      %dma_wait3A_136 = arith.constant 0 : i32
      %dma_wait3A_137 = arith.constant 0 : i32
      %dma_wait3A_138 = tpu.memref_slice %arg4[%add3A, %run_scoped3A_98, %dma_wait3A_136, %dma_wait3A_137] : memref<32x128x8x1024xf32, #tpu.memory_space<hbm>> -> memref<1x1x8x1024xf32, #tpu.memory_space<hbm>>
      %dma_wait3A_139 = tpu.memref_squeeze %dma_wait3A_138 : memref<1x1x8x1024xf32, #tpu.memory_space<hbm>> -> memref<8x1024xf32, #tpu.memory_space<hbm>>
      tpu.wait_dma2 semaphore(%run_scoped3A_123 : memref<!tpu.dma_semaphore, #tpu.memory_space<semaphore_mem>>) src(%arg10 : memref<8x1024xf32, #tpu.memory_space<vmem>>) dst(%dma_wait3A_139 : memref<8x1024xf32, #tpu.memory_space<hbm>>)
      tpu.yield
    }) : () -> ()
    %dma_wait3A_99 = arith.constant 125 : i32
    %dma_wait3A_100 = arith.constant 0 : i32
    %dma_wait3A_101 = tpu.memref_slice %arg5[%dma_wait3A_99, %dma_wait3A_100] : memref<128x8xi32, #tpu.memory_space<vmem>> -> memref<1x8xi32, #tpu.memory_space<vmem>>
    %dma_wait3A_102 = tpu.memref_squeeze %dma_wait3A_101 : memref<1x8xi32, #tpu.memory_space<vmem>> -> memref<8xi32, #tpu.memory_space<vmem>>
    %dma_wait3A_103 = arith.constant 0 : i32
    %dma_wait3A_104 = arith.constant 0 : i32
    %dma_wait3A_105 = tpu.memref_slice %arg2[%dma_wait3A_103, %dma_wait3A_104] : memref<8192x1024xf32, #tpu.memory_space<hbm>> -> memref<8192x1024xf32, #tpu.memory_space<hbm>>
    tpu.wait_indirect_dma semaphore(%arg19 : memref<!tpu.dma_semaphore, #tpu.memory_space<semaphore_mem>>) src(%dma_wait3A_105 : memref<8192x1024xf32, #tpu.memory_space<hbm>>) dst(%arg11 : memref<8x1024xf32, #tpu.memory_space<vmem>>)
    %run_scoped3A_106 = arith.constant 125 : i32
    "tpu.region"() ({
      %run_scoped3A_123 = tpu.sem_alloc : memref<!tpu.dma_semaphore, #tpu.memory_space<semaphore_mem>>
      %dma_start3A_124 = arith.constant 0 : i32
      %dma_start3A_125 = arith.constant 0 : i32
      %dma_start3A_126 = tpu.memref_slice %arg4[%add3A, %run_scoped3A_106, %dma_start3A_124, %dma_start3A_125] : memref<32x128x8x1024xf32, #tpu.memory_space<hbm>> -> memref<1x1x8x1024xf32, #tpu.memory_space<hbm>>
      %dma_start3A_127 = tpu.memref_squeeze %dma_start3A_126 : memref<1x1x8x1024xf32, #tpu.memory_space<hbm>> -> memref<8x1024xf32, #tpu.memory_space<hbm>>
      %dma_start3A_128 = arith.constant 0 : i32
      %dma_start3A_129 = arith.constant 0 : i32
      %dma_start3A_130 = tpu.memref_slice %arg4[%add3A, %run_scoped3A_106, %dma_start3A_128, %dma_start3A_129] : memref<32x128x8x1024xf32, #tpu.memory_space<hbm>> -> memref<1x1x8x1024xf32, #tpu.memory_space<hbm>>
      %dma_start3A_131 = tpu.memref_squeeze %dma_start3A_130 : memref<1x1x8x1024xf32, #tpu.memory_space<hbm>> -> memref<8x1024xf32, #tpu.memory_space<hbm>>
      tpu.enqueue_dma source(%arg11 : memref<8x1024xf32, #tpu.memory_space<vmem>>) target(%dma_start3A_131 : memref<8x1024xf32, #tpu.memory_space<hbm>>) target_semaphore(%run_scoped3A_123 : memref<!tpu.dma_semaphore, #tpu.memory_space<semaphore_mem>>)
      %dma_wait3A_132 = arith.constant 0 : i32
      %dma_wait3A_133 = arith.constant 0 : i32
      %dma_wait3A_134 = tpu.memref_slice %arg4[%add3A, %run_scoped3A_106, %dma_wait3A_132, %dma_wait3A_133] : memref<32x128x8x1024xf32, #tpu.memory_space<hbm>> -> memref<1x1x8x1024xf32, #tpu.memory_space<hbm>>
      %dma_wait3A_135 = tpu.memref_squeeze %dma_wait3A_134 : memref<1x1x8x1024xf32, #tpu.memory_space<hbm>> -> memref<8x1024xf32, #tpu.memory_space<hbm>>
      %dma_wait3A_136 = arith.constant 0 : i32
      %dma_wait3A_137 = arith.constant 0 : i32
      %dma_wait3A_138 = tpu.memref_slice %arg4[%add3A, %run_scoped3A_106, %dma_wait3A_136, %dma_wait3A_137] : memref<32x128x8x1024xf32, #tpu.memory_space<hbm>> -> memref<1x1x8x1024xf32, #tpu.memory_space<hbm>>
      %dma_wait3A_139 = tpu.memref_squeeze %dma_wait3A_138 : memref<1x1x8x1024xf32, #tpu.memory_space<hbm>> -> memref<8x1024xf32, #tpu.memory_space<hbm>>
      tpu.wait_dma2 semaphore(%run_scoped3A_123 : memref<!tpu.dma_semaphore, #tpu.memory_space<semaphore_mem>>) src(%arg11 : memref<8x1024xf32, #tpu.memory_space<vmem>>) dst(%dma_wait3A_139 : memref<8x1024xf32, #tpu.memory_space<hbm>>)
      tpu.yield
    }) : () -> ()
    %dma_wait3A_107 = arith.constant 126 : i32
    %dma_wait3A_108 = arith.constant 0 : i32
    %dma_wait3A_109 = tpu.memref_slice %arg5[%dma_wait3A_107, %dma_wait3A_108] : memref<128x8xi32, #tpu.memory_space<vmem>> -> memref<1x8xi32, #tpu.memory_space<vmem>>
    %dma_wait3A_110 = tpu.memref_squeeze %dma_wait3A_109 : memref<1x8xi32, #tpu.memory_space<vmem>> -> memref<8xi32, #tpu.memory_space<vmem>>
    %dma_wait3A_111 = arith.constant 0 : i32
    %dma_wait3A_112 = arith.constant 0 : i32
    %dma_wait3A_113 = tpu.memref_slice %arg2[%dma_wait3A_111, %dma_wait3A_112] : memref<8192x1024xf32, #tpu.memory_space<hbm>> -> memref<8192x1024xf32, #tpu.memory_space<hbm>>
    tpu.wait_indirect_dma semaphore(%arg20 : memref<!tpu.dma_semaphore, #tpu.memory_space<semaphore_mem>>) src(%dma_wait3A_113 : memref<8192x1024xf32, #tpu.memory_space<hbm>>) dst(%arg12 : memref<8x1024xf32, #tpu.memory_space<vmem>>)
    %run_scoped3A_114 = arith.constant 126 : i32
    "tpu.region"() ({
      %run_scoped3A_123 = tpu.sem_alloc : memref<!tpu.dma_semaphore, #tpu.memory_space<semaphore_mem>>
      %dma_start3A_124 = arith.constant 0 : i32
      %dma_start3A_125 = arith.constant 0 : i32
      %dma_start3A_126 = tpu.memref_slice %arg4[%add3A, %run_scoped3A_114, %dma_start3A_124, %dma_start3A_125] : memref<32x128x8x1024xf32, #tpu.memory_space<hbm>> -> memref<1x1x8x1024xf32, #tpu.memory_space<hbm>>
      %dma_start3A_127 = tpu.memref_squeeze %dma_start3A_126 : memref<1x1x8x1024xf32, #tpu.memory_space<hbm>> -> memref<8x1024xf32, #tpu.memory_space<hbm>>
      %dma_start3A_128 = arith.constant 0 : i32
      %dma_start3A_129 = arith.constant 0 : i32
      %dma_start3A_130 = tpu.memref_slice %arg4[%add3A, %run_scoped3A_114, %dma_start3A_128, %dma_start3A_129] : memref<32x128x8x1024xf32, #tpu.memory_space<hbm>> -> memref<1x1x8x1024xf32, #tpu.memory_space<hbm>>
      %dma_start3A_131 = tpu.memref_squeeze %dma_start3A_130 : memref<1x1x8x1024xf32, #tpu.memory_space<hbm>> -> memref<8x1024xf32, #tpu.memory_space<hbm>>
      tpu.enqueue_dma source(%arg12 : memref<8x1024xf32, #tpu.memory_space<vmem>>) target(%dma_start3A_131 : memref<8x1024xf32, #tpu.memory_space<hbm>>) target_semaphore(%run_scoped3A_123 : memref<!tpu.dma_semaphore, #tpu.memory_space<semaphore_mem>>)
      %dma_wait3A_132 = arith.constant 0 : i32
      %dma_wait3A_133 = arith.constant 0 : i32
      %dma_wait3A_134 = tpu.memref_slice %arg4[%add3A, %run_scoped3A_114, %dma_wait3A_132, %dma_wait3A_133] : memref<32x128x8x1024xf32, #tpu.memory_space<hbm>> -> memref<1x1x8x1024xf32, #tpu.memory_space<hbm>>
      %dma_wait3A_135 = tpu.memref_squeeze %dma_wait3A_134 : memref<1x1x8x1024xf32, #tpu.memory_space<hbm>> -> memref<8x1024xf32, #tpu.memory_space<hbm>>
      %dma_wait3A_136 = arith.constant 0 : i32
      %dma_wait3A_137 = arith.constant 0 : i32
      %dma_wait3A_138 = tpu.memref_slice %arg4[%add3A, %run_scoped3A_114, %dma_wait3A_136, %dma_wait3A_137] : memref<32x128x8x1024xf32, #tpu.memory_space<hbm>> -> memref<1x1x8x1024xf32, #tpu.memory_space<hbm>>
      %dma_wait3A_139 = tpu.memref_squeeze %dma_wait3A_138 : memref<1x1x8x1024xf32, #tpu.memory_space<hbm>> -> memref<8x1024xf32, #tpu.memory_space<hbm>>
      tpu.wait_dma2 semaphore(%run_scoped3A_123 : memref<!tpu.dma_semaphore, #tpu.memory_space<semaphore_mem>>) src(%arg12 : memref<8x1024xf32, #tpu.memory_space<vmem>>) dst(%dma_wait3A_139 : memref<8x1024xf32, #tpu.memory_space<hbm>>)
      tpu.yield
    }) : () -> ()
    %dma_wait3A_115 = arith.constant 127 : i32
    %dma_wait3A_116 = arith.constant 0 : i32
    %dma_wait3A_117 = tpu.memref_slice %arg5[%dma_wait3A_115, %dma_wait3A_116] : memref<128x8xi32, #tpu.memory_space<vmem>> -> memref<1x8xi32, #tpu.memory_space<vmem>>
    %dma_wait3A_118 = tpu.memref_squeeze %dma_wait3A_117 : memref<1x8xi32, #tpu.memory_space<vmem>> -> memref<8xi32, #tpu.memory_space<vmem>>
    %dma_wait3A_119 = arith.constant 0 : i32
    %dma_wait3A_120 = arith.constant 0 : i32
    %dma_wait3A_121 = tpu.memref_slice %arg2[%dma_wait3A_119, %dma_wait3A_120] : memref<8192x1024xf32, #tpu.memory_space<hbm>> -> memref<8192x1024xf32, #tpu.memory_space<hbm>>
    tpu.wait_indirect_dma semaphore(%arg21 : memref<!tpu.dma_semaphore, #tpu.memory_space<semaphore_mem>>) src(%dma_wait3A_121 : memref<8192x1024xf32, #tpu.memory_space<hbm>>) dst(%arg13 : memref<8x1024xf32, #tpu.memory_space<vmem>>)
    %run_scoped3A_122 = arith.constant 127 : i32
    "tpu.region"() ({
      %run_scoped3A_123 = tpu.sem_alloc : memref<!tpu.dma_semaphore, #tpu.memory_space<semaphore_mem>>
      %dma_start3A_124 = arith.constant 0 : i32
      %dma_start3A_125 = arith.constant 0 : i32
      %dma_start3A_126 = tpu.memref_slice %arg4[%add3A, %run_scoped3A_122, %dma_start3A_124, %dma_start3A_125] : memref<32x128x8x1024xf32, #tpu.memory_space<hbm>> -> memref<1x1x8x1024xf32, #tpu.memory_space<hbm>>
      %dma_start3A_127 = tpu.memref_squeeze %dma_start3A_126 : memref<1x1x8x1024xf32, #tpu.memory_space<hbm>> -> memref<8x1024xf32, #tpu.memory_space<hbm>>
      %dma_start3A_128 = arith.constant 0 : i32
      %dma_start3A_129 = arith.constant 0 : i32
      %dma_start3A_130 = tpu.memref_slice %arg4[%add3A, %run_scoped3A_122, %dma_start3A_128, %dma_start3A_129] : memref<32x128x8x1024xf32, #tpu.memory_space<hbm>> -> memref<1x1x8x1024xf32, #tpu.memory_space<hbm>>
      %dma_start3A_131 = tpu.memref_squeeze %dma_start3A_130 : memref<1x1x8x1024xf32, #tpu.memory_space<hbm>> -> memref<8x1024xf32, #tpu.memory_space<hbm>>
      tpu.enqueue_dma source(%arg13 : memref<8x1024xf32, #tpu.memory_space<vmem>>) target(%dma_start3A_131 : memref<8x1024xf32, #tpu.memory_space<hbm>>) target_semaphore(%run_scoped3A_123 : memref<!tpu.dma_semaphore, #tpu.memory_space<semaphore_mem>>)
      %dma_wait3A_132 = arith.constant 0 : i32
      %dma_wait3A_133 = arith.constant 0 : i32
      %dma_wait3A_134 = tpu.memref_slice %arg4[%add3A, %run_scoped3A_122, %dma_wait3A_132, %dma_wait3A_133] : memref<32x128x8x1024xf32, #tpu.memory_space<hbm>> -> memref<1x1x8x1024xf32, #tpu.memory_space<hbm>>
      %dma_wait3A_135 = tpu.memref_squeeze %dma_wait3A_134 : memref<1x1x8x1024xf32, #tpu.memory_space<hbm>> -> memref<8x1024xf32, #tpu.memory_space<hbm>>
      %dma_wait3A_136 = arith.constant 0 : i32
      %dma_wait3A_137 = arith.constant 0 : i32
      %dma_wait3A_138 = tpu.memref_slice %arg4[%add3A, %run_scoped3A_122, %dma_wait3A_136, %dma_wait3A_137] : memref<32x128x8x1024xf32, #tpu.memory_space<hbm>> -> memref<1x1x8x1024xf32, #tpu.memory_space<hbm>>
      %dma_wait3A_139 = tpu.memref_squeeze %dma_wait3A_138 : memref<1x1x8x1024xf32, #tpu.memory_space<hbm>> -> memref<8x1024xf32, #tpu.memory_space<hbm>>
      tpu.wait_dma2 semaphore(%run_scoped3A_123 : memref<!tpu.dma_semaphore, #tpu.memory_space<semaphore_mem>>) src(%arg13 : memref<8x1024xf32, #tpu.memory_space<vmem>>) dst(%dma_wait3A_139 : memref<8x1024xf32, #tpu.memory_space<hbm>>)
      tpu.yield
    }) : () -> ()
    return
  }
}

</mosaic_0001>

<sc_bundles>
// kernel: kernel.3.cloned.1.call-start
scs
__scs_entry_jumppad:
0x0: {  	(pc) =	sbr.rel $0x88, $3  }
0x1: {  	(tag) =	ssettag $0x0;
	lr =	simm.s32 $0x1  }
0x2: {  	[smem:$0x3F9F] =	sst lr;
	_ =	strace $0xD0000000  }
0x3: {  	_ = 	snop  }
0x4: {  	_ = 	snop  }
0x5: {  	_ = 	snop  }
0x6: {  	_ = 	snop  }
0x7: {  	_ = 	snop  }
__scs_overlays_trampoline_lowered:
0x8: {  	[smem:$0x3FAE] =	sst s0  }
0x9: {  	[smem:$0x3FAF] =	sst s1  }
0xa: {  	[smem:$0x3FB0] =	sst s2  }
0xb: {  	[smem:$0x3FB1] =	sst s3  }
0xc: {  	[smem:$0x3FB2] =	sst s4  }
0xd: {  	[smem:$0x3FB3] =	sst s5  }
0xe: {  	[smem:$0x3FB4] =	sst s6  }
0xf: {  	[smem:$0x3FB5] =	sst s7  }
0x10: {  	[smem:$0x3FB6] =	sst s8  }
0x11: {  	[smem:$0x3FB7] =	sst s9;
	s0 =	simm.s32 @!p0 $0x0  }
0x12: {  	s1 =	sld [smem:$0x3F9D];
	s0 =	simm.s32 @p0 $0x1  }
0x13: {  	[smem:$0x3FB8] =	sst s0;
	s0 =	simm.s32 @!p1 $0x0  }
0x14: {  	s2 =	sld [smem:$0x3F9C];
	s0 =	simm.s32 @p1 $0x1  }
0x15: {  	[smem:$0x3FB9] =	sst s0;
	s0 =	simm.s32 @!p2 $0x0  }
0x16: {  	s3 =	sld [smem:$0x3FDB];
	s0 =	simm.s32 @p2 $0x1  }
0x17: {  	s4 =	simm.s32 $0x1BF5;
	[smem:$0x3FBB] =	sst s0  }
0x18: {  	s0 =	sld [smem:$0x3F9E];
	_ =	swait.ge [sflag:s4], $0x0  }
0x19: {  	s7 =	sld [smem:$0x3F9F]  }
0x1a: {  	s8 =	sadd.s32 $0xFFFFE003, lr  }
0x1b: {  	s9 =	sadd.s32 $0xFFFFFEF7, lr;
	s5 =	simm.s32 $0xFFFFFFFF;
	p2 =	slt.u32 s8, $0xFFFFF086  }
0x1c: {  	p1 =	slt.u32 s9, $0xF7A;
	s5 =	simm.s32 @!p2 $0x0  }
0x1d: {  	s5 =	simm.s32 @p1 $0x1;
	p0 =	seq.s32 s7, s2  }
0x1e: {  	s7 =	smul.u32 @!p0 $0xF7A, s2;
	p2 =	seq.s32 @!p0 s5, $0x0  }
0x1f: {  	s9 =	smul.u32 $0xF7A, s1;
	s8 =	simm.s32 @!p0 $0x1BF5;
	p2 =	por !p2, p0  }
0x20: {  	[sflag:s8] =	ssyncset.s32 @!p0 $0xFFFFF086;
	s6 =	sadd.s32 @!p0 s3, s7;
	s7 =	simm.s32 @!p0 $0x108  }
0x21: {  	s3 =	sadd.s32 s3, s9;
	s6 =	sadd.s32 @!p0 $0x88, s6;
	s7 =	simm.s32 @p2 $0x1082  }
0x22: {  	[simem:s7], [sflag:s8] =	dma.local @!p0 [hbm:s6], $0xF7A  }
0x23: {  	s9 =	sor.u32 $0xD0000000, s2;
	s6 =	simm.s32 $0x108;
	_ =	swait.ge @!p0 [sflag:s8], $0x0  }
0x24: {  	s3 =	sadd.s32 $0x88, s3;
	s6 =	simm.s32 @!p1 $0x1082;
	[sflag:s4] =	ssyncset.s32 $0xFFFFF086  }
0x25: {  	[simem:s6], [sflag:s4] =	dma.local [hbm:s3], $0xF7A  }
0x26: {  	[smem:$0x3F9F] =	sst s1;
	(tag) =	ssettag s2;
	_ =	strace s9  }
0x27: {  	s1 =	sld [smem:$0x3FAF]  }
0x28: {  	s2 =	sld [smem:$0x3FB0]  }
0x29: {  	s4 =	sld [smem:$0x3FB2]  }
0x2a: {  	p0 =	seq.s32 s5, $0x0;
	s5 =	sld [smem:$0x3FB3]  }
0x2b: {  	s6 =	sld [smem:$0x3FB4]  }
0x2c: {  	s7 =	sld [smem:$0x3FB5]  }
0x2d: {  	s3 =	simm.s32 $0x108;
	s8 =	sld [smem:$0x3FB6]  }
0x2e: {  	s3 =	simm.s32 @!p0 $0x1082;
	s9 =	sld [smem:$0x3FB7]  }
0x2f: {  	lr =	sadd.s32 s0, s3;
	s0 =	sld [smem:$0x3FAE]  }
0x30: {  	s3 =	sld [smem:$0x3FB1]  }
0x31: {  	[smem:$0x3FBA] =	sst s10  }
0x32: {  	s10 =	sld [smem:$0x3FB8];
	_ =	sdelay $0x3  }
0x33: {  	p0 =	seq.s32 s10, $0x1;
	s10 =	sld [smem:$0x3FBA];
	_ =	sdelay $0x3  }
0x34: {  	[smem:$0x3FBA] =	sst s10  }
0x35: {  	s10 =	sld [smem:$0x3FB9];
	_ =	sdelay $0x3  }
0x36: {  	p1 =	seq.s32 s10, $0x1;
	s10 =	sld [smem:$0x3FBA];
	_ =	sdelay $0x3  }
0x37: {  	[smem:$0x3FBA] =	sst s10  }
0x38: {  	s10 =	sld [smem:$0x3FBB]  }
0x39: {  	_ = 	snop;
	(pc) =	sbr.ind lr, $3  }
0x3a: {  	_ = 	snop  }
0x3b: {  	_ = 	snop  }
0x3c: {  	p2 =	seq.s32 s10, $0x1;
	s10 =	sld [smem:$0x3FBA]  }
0x3d: {  	_ =	shalt  }
0x3e: {  	_ =	shalt  }
0x3f: {  	_ =	shalt  }
0x40: {  	_ =	shalt  }
0x41: {  	_ =	shalt  }
0x42: {  	_ =	shalt  }
0x43: {  	_ =	shalt  }
0x44: {  	_ =	shalt  }
0x45: {  	_ =	shalt  }
0x46: {  	_ =	shalt  }
0x47: {  	_ =	shalt  }
0x48: {  	_ =	shalt  }
0x49: {  	_ =	shalt  }
0x4a: {  	_ =	shalt  }
0x4b: {  	_ =	shalt  }
0x4c: {  	_ =	shalt  }
0x4d: {  	_ =	shalt  }
0x4e: {  	_ =	shalt  }
0x4f: {  	_ =	shalt  }
0x50: {  	_ =	shalt  }
0x51: {  	_ =	shalt  }
0x52: {  	_ =	shalt  }
0x53: {  	_ =	shalt  }
0x54: {  	_ =	shalt  }
0x55: {  	_ =	shalt  }
0x56: {  	_ =	shalt  }
0x57: {  	_ =	shalt  }
0x58: {  	_ =	shalt  }
0x59: {  	_ =	shalt  }
0x5a: {  	_ =	shalt  }
0x5b: {  	_ =	shalt  }
0x5c: {  	_ =	shalt  }
0x5d: {  	_ =	shalt  }
0x5e: {  	_ =	shalt  }
0x5f: {  	_ =	shalt  }
0x60: {  	_ =	shalt  }
0x61: {  	_ =	shalt  }
0x62: {  	_ =	shalt  }
0x63: {  	_ =	shalt  }
0x64: {  	_ =	shalt  }
0x65: {  	_ =	shalt  }
0x66: {  	_ =	shalt  }
0x67: {  	_ =	shalt  }
0x68: {  	_ =	shalt  }
0x69: {  	_ =	shalt  }
0x6a: {  	_ =	shalt  }
0x6b: {  	_ =	shalt  }
0x6c: {  	_ =	shalt  }
0x6d: {  	_ =	shalt  }
0x6e: {  	_ =	shalt  }
0x6f: {  	_ =	shalt  }
0x70: {  	_ =	shalt  }
0x71: {  	_ =	shalt  }
0x72: {  	_ =	shalt  }
0x73: {  	_ =	shalt  }
0x74: {  	_ =	shalt  }
0x75: {  	_ =	shalt  }
0x76: {  	_ =	shalt  }
0x77: {  	_ =	shalt  }
0x78: {  	_ =	shalt  }
0x79: {  	_ =	shalt  }
0x7a: {  	_ =	shalt  }
0x7b: {  	_ =	shalt  }
0x7c: {  	_ =	shalt  }
0x7d: {  	_ =	shalt  }
0x7e: {  	_ =	shalt  }
0x7f: {  	_ =	shalt  }
0x80: {  	_ =	shalt  }
0x81: {  	_ =	shalt  }
0x82: {  	_ =	shalt  }
0x83: {  	_ =	shalt  }
0x84: {  	_ =	shalt  }
0x85: {  	_ =	shalt  }
0x86: {  	_ =	shalt  }
0x87: {  	_ =	shalt  }
.Lfunc_end0:
.L_simem_size_0:
called_computation_lowered:
.L_overlay_start_0:
0x88: {  	s2 =	sld [smem:$0x3FD9]  }
0x89: {  	s3 =	sld [smem:$0x3FFE];
	_ =	sdelay $0x1  }
0x8a: {  	s1 =	srdreg.scid  }
0x8b: {  	s0 =	sand.u32 $0x1, s1  }
0x8c: {  	s17 =	sshll.u32 s0, $0xA;
	s2 =	sadd.s32 s3, s2  }
0x8d: {  	s2 =	sadd.s32 s2, s17  }
0x8e: {  	[smem:$0x3FC6] =	sst s2  }
0x8f: {  	_ = 	snop  }
0x90: {  	s2 =	sld [smem:$0x3FC8]  }
0x91: {  	s18 =	sld [smem:$0x3FD0];
	(tm) =	ssettm $0x1  }
0x92: {  	s4 =	sld [smem:$0x3FFB];
	_ =	sdelay $0x3  }
0x93: {  	_ =	strace s4  }
0x94: {  	s4 =	sld [smem:$0x3FFC];
	_ =	sdelay $0x3  }
0x95: {  	_ =	strace s4  }
0x96: {  	s4 =	sld [smem:$0x3FFD];
	_ =	sdelay $0x3  }
0x97: {  	_ =	strace s4  }
0x98: {  	_ =	strace $0x8FFFFFFF  }
0x99: {  	s19 =	sld [smem:$0x3FDB];
	_ =	sdelay $0x1  }
0x9a: {  	s5 =	simm.s32 $_scs_section_size  }
0x9b: {  	s6 =	simm.s32 $_size__tile_overlayer_lowered;
	s7 =	simm.s32 $_tile_overlayer_lowered  }
0x9c: {  	s22 =	simm.s32 $0x1BFF;
	s21 =	sshll.u32 s7, $0x1;
	s4 =	sadd.s32 s5, s19  }
0x9d: {  	s8 =	simm.s32 $0x0;
	s20 =	sshll.u32 s6, $0x1;
	s6 =	sadd.s32 s21, s4  }
0x9e: {  	[timem:s8], [sflag:s22] =	dma.local [hbm:s6], s20  }
0x9f: {  	_ =	swait.ge [sflag:s22], s20  }
0xa0: {  	s5 =	ssub.s32 $0x0, s20;
	[sflag:s22] =	ssyncset.done $0x0  }
0xa1: {  	[sflag:s22] =	ssyncadd.s32 s5;
	_ =	sdelay $0x1  }
0xa2: {  	s23 =	simm.s32 $0x1B8B  }
0xa3: {  	_ =	swait.ge [sflag:s23], $0x1  }
0xa4: {  	[sflag:s23] =	ssyncset.done $0x0  }
0xa5: {  	s25 =	simm.s32 $0x1B8E;
	s24 =	sld [smem:$0x3FFE];
	[sflag:s23] =	ssyncadd.s32 $0xFFFFFFFF  }
0xa6: {  	s26 =	simm.s32 $execute0_lowered;
	[smem:$0x3FD2] =	sst s25  }
0xa7: {  	s6 =	sshll.u32 s26, $0x1;
	_ =	strace $0x80000046;
	[dreg:$0x1] =	wrdreg $0xFFFFFFFF  }
0xa8: {  	s28 =	simm.s32 $_size_execute0_lowered;
	s4 =	sadd.s32 s4, s6;
	[dreg:$0x0] =	wrdreg $0x0  }
0xa9: {  	s6 =	sshll.u32 s28, $0x1;
	[dreg:$0x2] =	wrdreg s4  }
0xaa: {  	[dreg:$0x3] =	wrdreg s6  }
0xab: {  	[dreg:$0x4] =	wrdreg $0xC0  }
0xac: {  	_ =	task [dreg:s8], $0x5FFFF  }
0xad: {  	[dreg:$0x1] =	wrdreg $0xFFFFFFFF  }
0xae: {  	[dreg:$0x0] =	wrdreg $0x60  }
0xaf: {  	[dreg:$0x2] =	wrdreg s2  }
0xb0: {  	[dreg:$0x3] =	wrdreg s24  }
0xb1: {  	[dreg:$0x4] =	wrdreg s18  }
0xb2: {  	[dreg:$0x5] =	wrdreg $0x9  }
0xb3: {  	_ =	task.clear_ibuf [dreg:s8], $0x6FFFF;
	_ =	strace $0x90000046  }
0xb4: {  	s29 =	simm.s32 $0x9;
	_ =	strace $0x80000048  }
0xb5: {  	_ =	swait.ge [sflag:s29], $0x1  }
0xb6: {  	[sflag:s29] =	ssyncadd.s32 $0xFFFFFFFF  }
0xb7: {  	_ =	strace $0x90000048  }
0xb8: {  	_ =	sfence  }
0xb9: {  	s30 =	sld [smem:$0x0];
	_ =	sdelay $0x2  }
0xba: {  	s31 =	sshll.u32 s1, $0xD;
	s1 =	sshrl.u32 s1, $0x2  }
0xbb: {  	s3 =	sand.u32 $0x4000, s31;
	s1 =	sadd.s32 s1, s30  }
0xbc: {  	s0 =	sor.u32 s3, s0;
	s1 =	sshll.u32 s1, $0x11  }
0xbd: {  	s0 =	sor.u32 s1, s0  }
0xbe: {  	s0 =	sadd.s32 $0x8F2B, s0  }
0xbf: {  	[sflag:s0] =	ssyncadd.remote.s32 $0x1  }
0xc0: {  	_ =	sfence.sel $0xFFFF  }
0xc1: {  	[dreg:$0x0] =	wrdreg $0xFFFFFFFF;
	(pc) =	sbr.abs _section_cstart, $3  }
0xc2: {  	[dreg:$0x1] =	wrdreg $0xFFFFFFFF  }
0xc3: {  	_ =	task.clear_ibuf [dreg:s8], $0x2FFFF;
	_ =	strace $0x9FFFFFFF  }
0xc4: {  	(tm) =	ssettm $0x7FFFFFFF  }
0xc5: {  	_ =	shalt  }
tec
execute0_lowered:
.L_overlay_start_1:
0x0: {  	(tag) =	ssettag $0x1  }
0x1: {  	s1 =	rddreg [dreg:$0x0]  }
0x2: {  	s0 =	rddreg [dreg:$0x1]  }
0x3: {  	s2 =	rddreg [dreg:$0x2]  }
0x4: {  	s4 =	srdreg.scid;
	s9 =	stileid.u32;
	s3 =	simm.s32 $0x0  }
0x5: {  	s28 =	simm.s32 $0x9000;
	s31 =	simm.s32 $0xA000;
	s29 =	simm.s32 $0x1  }
0x6: {  	s30 =	simm.s32 $0x2;
	s4 =	sand.u32 $0x1, s4;
	s5 =	sshll.u32 s9, $0x1  }
0x7: {  	[smem:$0x7FF] =	sst s3;
	s9 =	sshll.u32 s9, $0x15;
	s5 =	sor.u32 s4, s5  }
0x8: {  	s6 =	ssub.s32 $0x2, s4;
	_ =	strace $0x80000047;
	s4 =	sshll.u32 s4, $0x14  }
0x9: {  	s7 =	sshll.u32 s5, $0xB;
	s8 =	sshrl.u32 s6, $0x1;
	s22 =	sshll.u32 s5, $0x11  }
0xa: {  	s5 =	sadd.s32 $0x100, s1;
	s4 =	sor.u32 s4, s9;
	s0 =	sadd.s32 s7, s0  }
0xb: {  	s8 =	ssub.s32 s6, s8;
	s6 =	sadd.s32 $0x200, s1;
	s7 =	sadd.s32 $0x300, s1  }
0xc: {  	s12 =	sor.u32 $0x2000, s4;
	s14 =	sor.u32 $0x4000, s4;
	s16 =	sor.u32 $0x6000, s4  }
0xd: {  	s17 =	sor.u32 $0x8000, s4;
	s21 =	sor.u32 $0xA000, s4;
	s0 =	sadd.s32 $0x400, s0  }
0xe: {  	s15 =	sshrl.u32 s14, $0x3;
	s19 =	sshrl.u32 s17, $0x3;
	s17 =	simm.s32 $0x9  }
0xf: {  	[dreg:$0xc] =	wrdreg s0;
	s0 =	sadd.s32 s22, s2;
	s20 =	sadd.s32 s19, s2  }
0x10: {  	s14 =	simm.s32 $0x4800;
	s10 =	sadd.s32 $0x1E000, s0;
	[dreg:$0x8] =	wrdreg s20  }
0x11: {  	s22 =	sshrl.u32 s21, $0x3;
	s23 =	sadd.s32 $0x1E400, s0;
	[dreg:$0xd] =	wrdreg s10  }
0x12: {  	s19 =	simm.s32 $0x5800;
	s24 =	sadd.s32 $0x1E800, s0;
	[dreg:$0xe] =	wrdreg s23  }
0x13: {  	s21 =	simm.s32 $0x8000;
	s25 =	sadd.s32 $0x1EC00, s0;
	[dreg:$0xf] =	wrdreg s24  }
0x14: {  	s26 =	sadd.s32 $0x1F000, s0;
	s11 =	sadd.s32 $0x1F400, s0;
	[dreg:$0x10] =	wrdreg s25  }
0x15: {  	s20 =	simm.s32 $0x6800;
	[dreg:$0x11] =	wrdreg s26;
	s10 =	sshrl.u32 s4, $0x3  }
0x16: {  	[dreg:$0x12] =	wrdreg s11;
	s23 =	sor.u32 $0xC000, s4;
	s4 =	sor.u32 $0xE000, s4  }
0x17: {  	s25 =	sadd.s32 $0x1F800, s0;
	s0 =	sadd.s32 $0x1FC00, s0;
	s26 =	smax.u32 s8, $0x1  }
0x18: {  	s8 =	simm.s32 $0xC000;
	s11 =	simm.s32 $0x8;
	[dreg:$0x13] =	wrdreg s25  }
0x19: {  	s9 =	sadd.s32 s10, s2;
	s10 =	sshrl.u32 s12, $0x3;
	[dreg:$0x14] =	wrdreg s0  }
0x1a: {  	s4 =	sshrl.u32 s4, $0x3;
	[dreg:$0x15] =	wrdreg s26;
	s26 =	simm.s32 $0x7000  }
0x1b: {  	s25 =	simm.s32 $0x8800;
	s12 =	simm.s32 $0xE000;
	s0 =	simm.s32 $0x3  }
0x1c: {  	[dreg:$0x4] =	wrdreg s9;
	s13 =	sadd.s32 s10, s2;
	s9 =	sadd.s32 s15, s2  }
0x1d: {  	s10 =	sshrl.u32 s16, $0x3;
	s15 =	simm.s32 $0x5000;
	[dreg:$0x5] =	wrdreg s13  }
0x1e: {  	s16 =	simm.s32 $0x10000;
	[dreg:$0x6] =	wrdreg s9;
	s18 =	sadd.s32 s10, s2  }
0x1f: {  	s9 =	sadd.s32 s22, s2;
	s10 =	sshrl.u32 s23, $0x3;
	s22 =	simm.s32 $0x4000  }
0x20: {  	s23 =	simm.s32 $0x12000;
	s13 =	simm.s32 $0x0;
	[dreg:$0x7] =	wrdreg s18  }
0x21: {  	[dreg:$0x9] =	wrdreg s9;
	s24 =	sadd.s32 s10, s2;
	s2 =	sadd.s32 s4, s2  }
0x22: {  	v0 =	vlaneseq.u32;
	s18 =	simm.s32 $0x6000;
	s4 =	simm.s32 $0x5;
	[dreg:$0x16] =	wrdreg s13  }
0x23: {  	v1 =	vshrl.u32 v0, $0x3;
	s9 =	simm.s32 $0x6;
	s10 =	simm.s32 $0x7;
	[dreg:$0xa] =	wrdreg s24  }
0x24: {  	vm0 =	vmmov $0xffff;
	v0 =	vand.u32 $0x7, v0;
	v1 =	vmul.u32 $0x8, v1;
	[dreg:$0xb] =	wrdreg s2;
	s24 =	simm.s32 $0x7800;
	s2 =	simm.s32 $0x4  }
.LBB2_1:
0x25: {  	s13 =	rddreg [dreg:$0xc]  }
0x26: {  	[tilespmem:s3], [sflag:$0x9] =	stream.linear.gather [hbm4b:s13+s3], $0x4000, $0x38;
	[tilespmem:$0x14000] =	vst v63  }
0x27: {  	_ =	swait.ge [sflag:s17], $0x4000  }
0x28: {  	[sflag:s17] =	ssyncset.done $0x0  }
0x29: {  	[sflag:s17] =	ssyncadd.s32 $0xFFFFC000  }
0x2a: {  	v2 =	vld.msk [tilespmem:$0x0], $0xff;
	_ =	sdelay $0x4  }
0x2b: {  	v3 =	vshll.u32 v2, $0x3  }
0x2c: {  	v2 =	vand.u32 $0x7, v2;
	v3 =	vand.u32 $0xFFFFFFC0, v3  }
0x2d: {  	v2 =	vor.u32 v2, v3  }
0x2e: {  	v2 =	vperm.xlane v2, v0;
	_ =	sdelay $0x1  }
0x2f: {  	v2 =	vadd.s32 v1, v2;
	_ =	sdelay $0x4  }
0x30: {  	[tilespmem:s22], [sflag:$0x1] =	stream.indirect_vreg.gather [hbm4b:s1+s3], $0x80, v2, vm0, $0xb8;
	[tilespmem:$0x14000] =	vst v63  }
0x31: {  	_ = 	snop  }
0x32: {  	[tilespmem:s14], [sflag:$0x1] =	stream.indirect_vreg.gather [hbm4b:s5+s3], $0x80, v2, vm0, $0xb8;
	[tilespmem:$0x14000] =	vst v63  }
0x33: {  	_ = 	snop  }
0x34: {  	[tilespmem:s15], [sflag:$0x1] =	stream.indirect_vreg.gather [hbm4b:s6+s3], $0x80, v2, vm0, $0xb8;
	[tilespmem:$0x14000] =	vst v63  }
0x35: {  	_ = 	snop  }
0x36: {  	[tilespmem:s19], [sflag:$0x1] =	stream.indirect_vreg.gather [hbm4b:s7+s3], $0x80, v2, vm0, $0xb8;
	[tilespmem:$0x14000] =	vst v63  }
0x37: {  	v2 =	vld.msk [tilespmem:$0x80], $0xff;
	_ =	sdelay $0x4  }
0x38: {  	v3 =	vshll.u32 v2, $0x3  }
0x39: {  	v2 =	vand.u32 $0x7, v2;
	v3 =	vand.u32 $0xFFFFFFC0, v3  }
0x3a: {  	v2 =	vor.u32 v2, v3  }
0x3b: {  	v2 =	vperm.xlane v2, v0;
	_ =	sdelay $0x1  }
0x3c: {  	v2 =	vadd.s32 v1, v2;
	_ =	sdelay $0x4  }
0x3d: {  	[tilespmem:s18], [sflag:$0x2] =	stream.indirect_vreg.gather [hbm4b:s1+s3], $0x80, v2, vm0, $0xb8;
	[tilespmem:$0x14000] =	vst v63  }
0x3e: {  	_ = 	snop  }
0x3f: {  	[tilespmem:s20], [sflag:$0x2] =	stream.indirect_vreg.gather [hbm4b:s5+s3], $0x80, v2, vm0, $0xb8;
	[tilespmem:$0x14000] =	vst v63  }
0x40: {  	_ = 	snop  }
0x41: {  	[tilespmem:s26], [sflag:$0x2] =	stream.indirect_vreg.gather [hbm4b:s6+s3], $0x80, v2, vm0, $0xb8;
	[tilespmem:$0x14000] =	vst v63  }
0x42: {  	_ = 	snop  }
0x43: {  	[tilespmem:s24], [sflag:$0x2] =	stream.indirect_vreg.gather [hbm4b:s7+s3], $0x80, v2, vm0, $0xb8;
	[tilespmem:$0x14000] =	vst v63  }
0x44: {  	v2 =	vld.msk [tilespmem:$0x100], $0xff;
	_ =	sdelay $0x4  }
0x45: {  	v3 =	vshll.u32 v2, $0x3  }
0x46: {  	v2 =	vand.u32 $0x7, v2;
	v3 =	vand.u32 $0xFFFFFFC0, v3  }
0x47: {  	v2 =	vor.u32 v2, v3  }
0x48: {  	v2 =	vperm.xlane v2, v0;
	_ =	sdelay $0x1  }
0x49: {  	v2 =	vadd.s32 v1, v2;
	_ =	sdelay $0x4  }
0x4a: {  	[tilespmem:s21], [sflag:$0x3] =	stream.indirect_vreg.gather [hbm4b:s1+s3], $0x80, v2, vm0, $0xb8;
	[tilespmem:$0x14000] =	vst v63  }
0x4b: {  	_ = 	snop  }
0x4c: {  	[tilespmem:s25], [sflag:$0x3] =	stream.indirect_vreg.gather [hbm4b:s5+s3], $0x80, v2, vm0, $0xb8;
	[tilespmem:$0x14000] =	vst v63  }
0x4d: {  	_ = 	snop  }
0x4e: {  	[tilespmem:s28], [sflag:$0x3] =	stream.indirect_vreg.gather [hbm4b:s6+s3], $0x80, v2, vm0, $0xb8;
	[tilespmem:$0x14000] =	vst v63  }
0x4f: {  	s24 =	simm.s32 $0x9800  }
0x50: {  	[tilespmem:s24], [sflag:$0x3] =	stream.indirect_vreg.gather [hbm4b:s7+s3], $0x80, v2, vm0, $0xb8;
	[tilespmem:$0x14000] =	vst v63  }
0x51: {  	v2 =	vld.msk [tilespmem:$0x180], $0xff;
	_ =	sdelay $0x4  }
0x52: {  	v3 =	vshll.u32 v2, $0x3  }
0x53: {  	v2 =	vand.u32 $0x7, v2;
	v3 =	vand.u32 $0xFFFFFFC0, v3  }
0x54: {  	v2 =	vor.u32 v2, v3  }
0x55: {  	v2 =	vperm.xlane v2, v0;
	_ =	sdelay $0x1  }
0x56: {  	v2 =	vadd.s32 v1, v2;
	_ =	sdelay $0x4  }
0x57: {  	[tilespmem:s31], [sflag:$0x4] =	stream.indirect_vreg.gather [hbm4b:s1+s3], $0x80, v2, vm0, $0xb8;
	[tilespmem:$0x14000] =	vst v63  }
0x58: {  	s25 =	simm.s32 $0xA800  }
0x59: {  	[tilespmem:s25], [sflag:$0x4] =	stream.indirect_vreg.gather [hbm4b:s5+s3], $0x80, v2, vm0, $0xb8;
	[tilespmem:$0x14000] =	vst v63  }
0x5a: {  	s26 =	simm.s32 $0xB000  }
0x5b: {  	[tilespmem:s26], [sflag:$0x4] =	stream.indirect_vreg.gather [hbm4b:s6+s3], $0x80, v2, vm0, $0xb8;
	[tilespmem:$0x14000] =	vst v63  }
0x5c: {  	s14 =	simm.s32 $0xB800  }
0x5d: {  	[tilespmem:s14], [sflag:$0x4] =	stream.indirect_vreg.gather [hbm4b:s7+s3], $0x80, v2, vm0, $0xb8;
	[tilespmem:$0x14000] =	vst v63  }
0x5e: {  	v2 =	vld.msk [tilespmem:$0x200], $0xff;
	_ =	sdelay $0x4  }
0x5f: {  	v3 =	vshll.u32 v2, $0x3  }
0x60: {  	v2 =	vand.u32 $0x7, v2;
	v3 =	vand.u32 $0xFFFFFFC0, v3  }
0x61: {  	v2 =	vor.u32 v2, v3  }
0x62: {  	v2 =	vperm.xlane v2, v0;
	_ =	sdelay $0x1  }
0x63: {  	v2 =	vadd.s32 v1, v2;
	_ =	sdelay $0x4  }
0x64: {  	[tilespmem:s8], [sflag:$0x5] =	stream.indirect_vreg.gather [hbm4b:s1+s3], $0x80, v2, vm0, $0xb8;
	[tilespmem:$0x14000] =	vst v63  }
0x65: {  	s15 =	simm.s32 $0xC800  }
0x66: {  	[tilespmem:s15], [sflag:$0x5] =	stream.indirect_vreg.gather [hbm4b:s5+s3], $0x80, v2, vm0, $0xb8;
	[tilespmem:$0x14000] =	vst v63  }
0x67: {  	s18 =	simm.s32 $0xD000  }
0x68: {  	[tilespmem:s18], [sflag:$0x5] =	stream.indirect_vreg.gather [hbm4b:s6+s3], $0x80, v2, vm0, $0xb8;
	[tilespmem:$0x14000] =	vst v63  }
0x69: {  	s19 =	simm.s32 $0xD800  }
0x6a: {  	[tilespmem:s19], [sflag:$0x5] =	stream.indirect_vreg.gather [hbm4b:s7+s3], $0x80, v2, vm0, $0xb8;
	[tilespmem:$0x14000] =	vst v63  }
0x6b: {  	v2 =	vld.msk [tilespmem:$0x280], $0xff;
	_ =	sdelay $0x4  }
0x6c: {  	v3 =	vshll.u32 v2, $0x3  }
0x6d: {  	v2 =	vand.u32 $0x7, v2;
	v3 =	vand.u32 $0xFFFFFFC0, v3  }
0x6e: {  	v2 =	vor.u32 v2, v3  }
0x6f: {  	v2 =	vperm.xlane v2, v0;
	_ =	sdelay $0x1  }
0x70: {  	v2 =	vadd.s32 v1, v2;
	_ =	sdelay $0x4  }
0x71: {  	[tilespmem:s12], [sflag:$0x6] =	stream.indirect_vreg.gather [hbm4b:s1+s3], $0x80, v2, vm0, $0xb8;
	[tilespmem:$0x14000] =	vst v63  }
0x72: {  	s20 =	simm.s32 $0xE800  }
0x73: {  	[tilespmem:s20], [sflag:$0x6] =	stream.indirect_vreg.gather [hbm4b:s5+s3], $0x80, v2, vm0, $0xb8;
	[tilespmem:$0x14000] =	vst v63  }
0x74: {  	s21 =	simm.s32 $0xF000  }
0x75: {  	[tilespmem:s21], [sflag:$0x6] =	stream.indirect_vreg.gather [hbm4b:s6+s3], $0x80, v2, vm0, $0xb8;
	[tilespmem:$0x14000] =	vst v63  }
0x76: {  	s22 =	simm.s32 $0xF800  }
0x77: {  	[tilespmem:s22], [sflag:$0x6] =	stream.indirect_vreg.gather [hbm4b:s7+s3], $0x80, v2, vm0, $0xb8;
	[tilespmem:$0x14000] =	vst v63  }
0x78: {  	v2 =	vld.msk [tilespmem:$0x300], $0xff;
	_ =	sdelay $0x4  }
0x79: {  	v3 =	vshll.u32 v2, $0x3  }
0x7a: {  	v2 =	vand.u32 $0x7, v2;
	v3 =	vand.u32 $0xFFFFFFC0, v3  }
0x7b: {  	v2 =	vor.u32 v2, v3  }
0x7c: {  	v2 =	vperm.xlane v2, v0;
	_ =	sdelay $0x1  }
0x7d: {  	v2 =	vadd.s32 v1, v2;
	_ =	sdelay $0x4  }
0x7e: {  	[tilespmem:s16], [sflag:$0x7] =	stream.indirect_vreg.gather [hbm4b:s1+s3], $0x80, v2, vm0, $0xb8;
	[tilespmem:$0x14000] =	vst v63  }
0x7f: {  	s24 =	simm.s32 $0x10800  }
0x80: {  	[tilespmem:s24], [sflag:$0x7] =	stream.indirect_vreg.gather [hbm4b:s5+s3], $0x80, v2, vm0, $0xb8;
	[tilespmem:$0x14000] =	vst v63  }
0x81: {  	s25 =	simm.s32 $0x11000  }
0x82: {  	[tilespmem:s25], [sflag:$0x7] =	stream.indirect_vreg.gather [hbm4b:s6+s3], $0x80, v2, vm0, $0xb8;
	[tilespmem:$0x14000] =	vst v63  }
0x83: {  	s26 =	simm.s32 $0x11800  }
0x84: {  	[tilespmem:s26], [sflag:$0x7] =	stream.indirect_vreg.gather [hbm4b:s7+s3], $0x80, v2, vm0, $0xb8;
	[tilespmem:$0x14000] =	vst v63  }
0x85: {  	v2 =	vld.msk [tilespmem:$0x380], $0xff;
	_ =	sdelay $0x4  }
0x86: {  	v3 =	vshll.u32 v2, $0x3  }
0x87: {  	v2 =	vand.u32 $0x7, v2;
	v3 =	vand.u32 $0xFFFFFFC0, v3  }
0x88: {  	v2 =	vor.u32 v2, v3  }
0x89: {  	v2 =	vperm.xlane v2, v0;
	_ =	sdelay $0x1  }
0x8a: {  	v2 =	vadd.s32 v1, v2;
	_ =	sdelay $0x4  }
0x8b: {  	[tilespmem:s23], [sflag:$0x8] =	stream.indirect_vreg.gather [hbm4b:s1+s3], $0x80, v2, vm0, $0xb8;
	[tilespmem:$0x14000] =	vst v63  }
0x8c: {  	s25 =	simm.s32 $0x12800  }
0x8d: {  	[tilespmem:s25], [sflag:$0x8] =	stream.indirect_vreg.gather [hbm4b:s5+s3], $0x80, v2, vm0, $0xb8;
	[tilespmem:$0x14000] =	vst v63  }
0x8e: {  	s13 =	simm.s32 $0x780;
	s28 =	simm.s32 $0x7800;
	s26 =	simm.s32 $0x13000  }
0x8f: {  	[tilespmem:s26], [sflag:$0x8] =	stream.indirect_vreg.gather [hbm4b:s6+s3], $0x80, v2, vm0, $0xb8;
	[tilespmem:$0x14000] =	vst v63  }
0x90: {  	s14 =	simm.s32 $0x0;
	s19 =	simm.s32 $0x9000;
	s20 =	simm.s32 $0x13800  }
0x91: {  	[tilespmem:s20], [sflag:$0x8] =	stream.indirect_vreg.gather [hbm4b:s7+s3], $0x80, v2, vm0, $0xb8;
	[tilespmem:$0x14000] =	vst v63  }
.LBB2_2:
0x92: {  	_ =	swait.ge [sflag:s29], $0x2000  }
0x93: {  	s15 =	rddreg [dreg:$0x4];
	[sflag:s29] =	ssyncset.done $0x0  }
0x94: {  	s18 =	simm.s32 $0x4000;
	[sflag:s29] =	ssyncadd.s32 $0xFFFFE000;
	s15 =	sadd.s32 s14, s15  }
0x95: {  	[hbm4b:s15+s3] =	stream.linear.scatter [tilespmem:s18], [sflag:$0x9], $0x2000, $0x38;
	[tilespmem:$0x14000] =	vst v63  }
0x96: {  	_ =	swait.ge [sflag:s17], $0x2000  }
0x97: {  	[sflag:s17] =	ssyncset.done $0x0  }
0x98: {  	[sflag:s17] =	ssyncadd.s32 $0xFFFFE000  }
0x99: {  	v2 =	vld.msk [tilespmem:s13+$0xFFFFFC80], $0xff;
	_ =	sdelay $0x4  }
0x9a: {  	v3 =	vshll.u32 v2, $0x3  }
0x9b: {  	v2 =	vand.u32 $0x7, v2;
	v3 =	vand.u32 $0xFFFFFFC0, v3  }
0x9c: {  	v2 =	vor.u32 v2, v3  }
0x9d: {  	v2 =	vperm.xlane v2, v0;
	_ =	sdelay $0x1  }
0x9e: {  	v2 =	vadd.s32 v1, v2;
	_ =	sdelay $0x4  }
0x9f: {  	[tilespmem:s18], [sflag:$0x1] =	stream.indirect_vreg.gather [hbm4b:s1+s3], $0x80, v2, vm0, $0xb8;
	[tilespmem:$0x14000] =	vst v63  }
0xa0: {  	s18 =	simm.s32 $0x4800  }
0xa1: {  	[tilespmem:s18], [sflag:$0x1] =	stream.indirect_vreg.gather [hbm4b:s5+s3], $0x80, v2, vm0, $0xb8;
	[tilespmem:$0x14000] =	vst v63  }
0xa2: {  	s21 =	simm.s32 $0x5000  }
0xa3: {  	[tilespmem:s21], [sflag:$0x1] =	stream.indirect_vreg.gather [hbm4b:s6+s3], $0x80, v2, vm0, $0xb8;
	[tilespmem:$0x14000] =	vst v63  }
0xa4: {  	s24 =	simm.s32 $0x5800  }
0xa5: {  	[tilespmem:s24], [sflag:$0x1] =	stream.indirect_vreg.gather [hbm4b:s7+s3], $0x80, v2, vm0, $0xb8;
	[tilespmem:$0x14000] =	vst v63  }
0xa6: {  	_ =	swait.ge [sflag:s30], $0x2000  }
0xa7: {  	s18 =	rddreg [dreg:$0x5];
	[sflag:s30] =	ssyncset.done $0x0  }
0xa8: {  	s21 =	simm.s32 $0x6000;
	[sflag:s30] =	ssyncadd.s32 $0xFFFFE000;
	s15 =	sadd.s32 s14, s18  }
0xa9: {  	[hbm4b:s15+s3] =	stream.linear.scatter [tilespmem:s21], [sflag:$0x9], $0x2000, $0x38;
	[tilespmem:$0x14000] =	vst v63  }
0xaa: {  	_ =	swait.ge [sflag:s17], $0x2000  }
0xab: {  	[sflag:s17] =	ssyncset.done $0x0  }
0xac: {  	[sflag:s17] =	ssyncadd.s32 $0xFFFFE000  }
0xad: {  	v2 =	vld.msk [tilespmem:s13+$0xFFFFFD00], $0xff;
	_ =	sdelay $0x4  }
0xae: {  	v3 =	vshll.u32 v2, $0x3  }
0xaf: {  	v2 =	vand.u32 $0x7, v2;
	v3 =	vand.u32 $0xFFFFFFC0, v3  }
0xb0: {  	v2 =	vor.u32 v2, v3  }
0xb1: {  	v2 =	vperm.xlane v2, v0;
	_ =	sdelay $0x1  }
0xb2: {  	v2 =	vadd.s32 v1, v2;
	_ =	sdelay $0x4  }
0xb3: {  	[tilespmem:s21], [sflag:$0x2] =	stream.indirect_vreg.gather [hbm4b:s1+s3], $0x80, v2, vm0, $0xb8;
	[tilespmem:$0x14000] =	vst v63  }
0xb4: {  	s21 =	simm.s32 $0x6800  }
0xb5: {  	[tilespmem:s21], [sflag:$0x2] =	stream.indirect_vreg.gather [hbm4b:s5+s3], $0x80, v2, vm0, $0xb8;
	[tilespmem:$0x14000] =	vst v63  }
0xb6: {  	s24 =	simm.s32 $0x7000  }
0xb7: {  	[tilespmem:s24], [sflag:$0x2] =	stream.indirect_vreg.gather [hbm4b:s6+s3], $0x80, v2, vm0, $0xb8;
	[tilespmem:$0x14000] =	vst v63  }
0xb8: {  	_ = 	snop  }
0xb9: {  	[tilespmem:s28], [sflag:$0x2] =	stream.indirect_vreg.gather [hbm4b:s7+s3], $0x80, v2, vm0, $0xb8;
	[tilespmem:$0x14000] =	vst v63  }
0xba: {  	_ =	swait.ge [sflag:s0], $0x2000  }
0xbb: {  	s21 =	rddreg [dreg:$0x6];
	[sflag:s0] =	ssyncset.done $0x0  }
0xbc: {  	s24 =	simm.s32 $0x8000;
	[sflag:s0] =	ssyncadd.s32 $0xFFFFE000;
	s15 =	sadd.s32 s14, s21  }
0xbd: {  	[hbm4b:s15+s3] =	stream.linear.scatter [tilespmem:s24], [sflag:$0x9], $0x2000, $0x38;
	[tilespmem:$0x14000] =	vst v63  }
0xbe: {  	_ =	swait.ge [sflag:s17], $0x2000  }
0xbf: {  	[sflag:s17] =	ssyncset.done $0x0  }
0xc0: {  	[sflag:s17] =	ssyncadd.s32 $0xFFFFE000  }
0xc1: {  	v2 =	vld.msk [tilespmem:s13+$0xFFFFFD80], $0xff;
	_ =	sdelay $0x4  }
0xc2: {  	v3 =	vshll.u32 v2, $0x3  }
0xc3: {  	v2 =	vand.u32 $0x7, v2;
	v3 =	vand.u32 $0xFFFFFFC0, v3  }
0xc4: {  	v2 =	vor.u32 v2, v3  }
0xc5: {  	v2 =	vperm.xlane v2, v0;
	_ =	sdelay $0x1  }
0xc6: {  	v2 =	vadd.s32 v1, v2;
	_ =	sdelay $0x4  }
0xc7: {  	[tilespmem:s24], [sflag:$0x3] =	stream.indirect_vreg.gather [hbm4b:s1+s3], $0x80, v2, vm0, $0xb8;
	[tilespmem:$0x14000] =	vst v63  }
0xc8: {  	s24 =	simm.s32 $0x8800  }
0xc9: {  	[tilespmem:s24], [sflag:$0x3] =	stream.indirect_vreg.gather [hbm4b:s5+s3], $0x80, v2, vm0, $0xb8;
	[tilespmem:$0x14000] =	vst v63  }
0xca: {  	_ = 	snop  }
0xcb: {  	[tilespmem:s19], [sflag:$0x3] =	stream.indirect_vreg.gather [hbm4b:s6+s3], $0x80, v2, vm0, $0xb8;
	[tilespmem:$0x14000] =	vst v63  }
0xcc: {  	s24 =	simm.s32 $0x9800  }
0xcd: {  	[tilespmem:s24], [sflag:$0x3] =	stream.indirect_vreg.gather [hbm4b:s7+s3], $0x80, v2, vm0, $0xb8;
	[tilespmem:$0x14000] =	vst v63  }
0xce: {  	_ =	swait.ge [sflag:s2], $0x2000  }
0xcf: {  	s24 =	rddreg [dreg:$0x7];
	[sflag:s2] =	ssyncset.done $0x0  }
0xd0: {  	[sflag:s2] =	ssyncadd.s32 $0xFFFFE000;
	s15 =	sadd.s32 s14, s24  }
0xd1: {  	[hbm4b:s15+s3] =	stream.linear.scatter [tilespmem:s31], [sflag:$0x9], $0x2000, $0x38;
	[tilespmem:$0x14000] =	vst v63  }
0xd2: {  	_ =	swait.ge [sflag:s17], $0x2000  }
0xd3: {  	[sflag:s17] =	ssyncset.done $0x0  }
0xd4: {  	[sflag:s17] =	ssyncadd.s32 $0xFFFFE000  }
0xd5: {  	v2 =	vld.msk [tilespmem:s13+$0xFFFFFE00], $0xff;
	_ =	sdelay $0x4  }
0xd6: {  	v3 =	vshll.u32 v2, $0x3  }
0xd7: {  	v2 =	vand.u32 $0x7, v2;
	v3 =	vand.u32 $0xFFFFFFC0, v3  }
0xd8: {  	v2 =	vor.u32 v2, v3  }
0xd9: {  	v2 =	vperm.xlane v2, v0;
	_ =	sdelay $0x1  }
0xda: {  	v2 =	vadd.s32 v1, v2;
	_ =	sdelay $0x4  }
0xdb: {  	[tilespmem:s31], [sflag:$0x4] =	stream.indirect_vreg.gather [hbm4b:s1+s3], $0x80, v2, vm0, $0xb8;
	[tilespmem:$0x14000] =	vst v63  }
0xdc: {  	s24 =	simm.s32 $0xA800  }
0xdd: {  	[tilespmem:s24], [sflag:$0x4] =	stream.indirect_vreg.gather [hbm4b:s5+s3], $0x80, v2, vm0, $0xb8;
	[tilespmem:$0x14000] =	vst v63  }
0xde: {  	s24 =	simm.s32 $0xB000  }
0xdf: {  	[tilespmem:s24], [sflag:$0x4] =	stream.indirect_vreg.gather [hbm4b:s6+s3], $0x80, v2, vm0, $0xb8;
	[tilespmem:$0x14000] =	vst v63  }
0xe0: {  	s24 =	simm.s32 $0xB800  }
0xe1: {  	[tilespmem:s24], [sflag:$0x4] =	stream.indirect_vreg.gather [hbm4b:s7+s3], $0x80, v2, vm0, $0xb8;
	[tilespmem:$0x14000] =	vst v63  }
0xe2: {  	_ =	swait.ge [sflag:s4], $0x2000  }
0xe3: {  	s24 =	rddreg [dreg:$0x8];
	[sflag:s4] =	ssyncset.done $0x0  }
0xe4: {  	[sflag:s4] =	ssyncadd.s32 $0xFFFFE000;
	s15 =	sadd.s32 s14, s24  }
0xe5: {  	[hbm4b:s15+s3] =	stream.linear.scatter [tilespmem:s8], [sflag:$0x9], $0x2000, $0x38;
	[tilespmem:$0x14000] =	vst v63  }
0xe6: {  	_ =	swait.ge [sflag:s17], $0x2000  }
0xe7: {  	[sflag:s17] =	ssyncset.done $0x0  }
0xe8: {  	[sflag:s17] =	ssyncadd.s32 $0xFFFFE000  }
0xe9: {  	v2 =	vld.msk [tilespmem:s13+$0xFFFFFE80], $0xff;
	_ =	sdelay $0x4  }
0xea: {  	v3 =	vshll.u32 v2, $0x3  }
0xeb: {  	v2 =	vand.u32 $0x7, v2;
	v3 =	vand.u32 $0xFFFFFFC0, v3  }
0xec: {  	v2 =	vor.u32 v2, v3  }
0xed: {  	v2 =	vperm.xlane v2, v0;
	_ =	sdelay $0x1  }
0xee: {  	v2 =	vadd.s32 v1, v2;
	_ =	sdelay $0x4  }
0xef: {  	[tilespmem:s8], [sflag:$0x5] =	stream.indirect_vreg.gather [hbm4b:s1+s3], $0x80, v2, vm0, $0xb8;
	[tilespmem:$0x14000] =	vst v63  }
0xf0: {  	s24 =	simm.s32 $0xC800  }
0xf1: {  	[tilespmem:s24], [sflag:$0x5] =	stream.indirect_vreg.gather [hbm4b:s5+s3], $0x80, v2, vm0, $0xb8;
	[tilespmem:$0x14000] =	vst v63  }
0xf2: {  	s24 =	simm.s32 $0xD000  }
0xf3: {  	[tilespmem:s24], [sflag:$0x5] =	stream.indirect_vreg.gather [hbm4b:s6+s3], $0x80, v2, vm0, $0xb8;
	[tilespmem:$0x14000] =	vst v63  }
0xf4: {  	s24 =	simm.s32 $0xD800  }
0xf5: {  	[tilespmem:s24], [sflag:$0x5] =	stream.indirect_vreg.gather [hbm4b:s7+s3], $0x80, v2, vm0, $0xb8;
	[tilespmem:$0x14000] =	vst v63  }
0xf6: {  	_ =	swait.ge [sflag:s9], $0x2000  }
0xf7: {  	s24 =	rddreg [dreg:$0x9];
	[sflag:s9] =	ssyncset.done $0x0  }
0xf8: {  	[sflag:s9] =	ssyncadd.s32 $0xFFFFE000;
	s15 =	sadd.s32 s14, s24  }
0xf9: {  	[hbm4b:s15+s3] =	stream.linear.scatter [tilespmem:s12], [sflag:$0x9], $0x2000, $0x38;
	[tilespmem:$0x14000] =	vst v63  }
0xfa: {  	_ =	swait.ge [sflag:s17], $0x2000  }
0xfb: {  	[sflag:s17] =	ssyncset.done $0x0  }
0xfc: {  	[sflag:s17] =	ssyncadd.s32 $0xFFFFE000  }
0xfd: {  	v2 =	vld.msk [tilespmem:s13+$0xFFFFFF00], $0xff;
	_ =	sdelay $0x4  }
0xfe: {  	v3 =	vshll.u32 v2, $0x3  }
0xff: {  	v2 =	vand.u32 $0x7, v2;
	v3 =	vand.u32 $0xFFFFFFC0, v3  }
0x100: {  	v2 =	vor.u32 v2, v3  }
0x101: {  	v2 =	vperm.xlane v2, v0;
	_ =	sdelay $0x1  }
0x102: {  	v2 =	vadd.s32 v1, v2;
	_ =	sdelay $0x4  }
0x103: {  	[tilespmem:s12], [sflag:$0x6] =	stream.indirect_vreg.gather [hbm4b:s1+s3], $0x80, v2, vm0, $0xb8;
	[tilespmem:$0x14000] =	vst v63  }
0x104: {  	s24 =	simm.s32 $0xE800  }
0x105: {  	[tilespmem:s24], [sflag:$0x6] =	stream.indirect_vreg.gather [hbm4b:s5+s3], $0x80, v2, vm0, $0xb8;
	[tilespmem:$0x14000] =	vst v63  }
0x106: {  	s24 =	simm.s32 $0xF000  }
0x107: {  	[tilespmem:s24], [sflag:$0x6] =	stream.indirect_vreg.gather [hbm4b:s6+s3], $0x80, v2, vm0, $0xb8;
	[tilespmem:$0x14000] =	vst v63  }
0x108: {  	s24 =	simm.s32 $0xF800  }
0x109: {  	[tilespmem:s24], [sflag:$0x6] =	stream.indirect_vreg.gather [hbm4b:s7+s3], $0x80, v2, vm0, $0xb8;
	[tilespmem:$0x14000] =	vst v63  }
0x10a: {  	_ =	swait.ge [sflag:s10], $0x2000  }
0x10b: {  	s24 =	rddreg [dreg:$0xa];
	[sflag:s10] =	ssyncset.done $0x0  }
0x10c: {  	[sflag:s10] =	ssyncadd.s32 $0xFFFFE000;
	s15 =	sadd.s32 s14, s24  }
0x10d: {  	[hbm4b:s15+s3] =	stream.linear.scatter [tilespmem:s16], [sflag:$0x9], $0x2000, $0x38;
	[tilespmem:$0x14000] =	vst v63  }
0x10e: {  	_ =	swait.ge [sflag:s17], $0x2000  }
0x10f: {  	[sflag:s17] =	ssyncset.done $0x0  }
0x110: {  	[sflag:s17] =	ssyncadd.s32 $0xFFFFE000  }
0x111: {  	v2 =	vld.msk [tilespmem:s13+$0xFFFFFF80], $0xff;
	_ =	sdelay $0x4  }
0x112: {  	v3 =	vshll.u32 v2, $0x3  }
0x113: {  	v2 =	vand.u32 $0x7, v2;
	v3 =	vand.u32 $0xFFFFFFC0, v3  }
0x114: {  	v2 =	vor.u32 v2, v3  }
0x115: {  	v2 =	vperm.xlane v2, v0;
	_ =	sdelay $0x1  }
0x116: {  	v2 =	vadd.s32 v1, v2;
	_ =	sdelay $0x4  }
0x117: {  	[tilespmem:s16], [sflag:$0x7] =	stream.indirect_vreg.gather [hbm4b:s1+s3], $0x80, v2, vm0, $0xb8;
	[tilespmem:$0x14000] =	vst v63  }
0x118: {  	s24 =	simm.s32 $0x10800  }
0x119: {  	[tilespmem:s24], [sflag:$0x7] =	stream.indirect_vreg.gather [hbm4b:s5+s3], $0x80, v2, vm0, $0xb8;
	[tilespmem:$0x14000] =	vst v63  }
0x11a: {  	s24 =	simm.s32 $0x11000  }
0x11b: {  	[tilespmem:s24], [sflag:$0x7] =	stream.indirect_vreg.gather [hbm4b:s6+s3], $0x80, v2, vm0, $0xb8;
	[tilespmem:$0x14000] =	vst v63  }
0x11c: {  	s24 =	simm.s32 $0x11800  }
0x11d: {  	[tilespmem:s24], [sflag:$0x7] =	stream.indirect_vreg.gather [hbm4b:s7+s3], $0x80, v2, vm0, $0xb8;
	[tilespmem:$0x14000] =	vst v63  }
0x11e: {  	_ =	swait.ge [sflag:s11], $0x2000  }
0x11f: {  	s24 =	rddreg [dreg:$0xb];
	[sflag:s11] =	ssyncset.done $0x0  }
0x120: {  	[sflag:s11] =	ssyncadd.s32 $0xFFFFE000;
	s15 =	sadd.s32 s14, s24  }
0x121: {  	[hbm4b:s15+s3] =	stream.linear.scatter [tilespmem:s23], [sflag:$0x9], $0x2000, $0x38;
	[tilespmem:$0x14000] =	vst v63  }
0x122: {  	_ =	swait.ge [sflag:s17], $0x2000  }
0x123: {  	[sflag:s17] =	ssyncset.done $0x0  }
0x124: {  	[sflag:s17] =	ssyncadd.s32 $0xFFFFE000  }
0x125: {  	v2 =	vld.msk [tilespmem:s13+$0x0], $0xff;
	_ =	sdelay $0x4  }
0x126: {  	v3 =	vshll.u32 v2, $0x3  }
0x127: {  	v2 =	vand.u32 $0x7, v2;
	v3 =	vand.u32 $0xFFFFFFC0, v3  }
0x128: {  	v2 =	vor.u32 v2, v3  }
0x129: {  	v2 =	vperm.xlane v2, v0;
	_ =	sdelay $0x1  }
0x12a: {  	v2 =	vadd.s32 v1, v2;
	_ =	sdelay $0x4  }
0x12b: {  	[tilespmem:s23], [sflag:$0x8] =	stream.indirect_vreg.gather [hbm4b:s1+s3], $0x80, v2, vm0, $0xb8;
	[tilespmem:$0x14000] =	vst v63  }
0x12c: {  	p0 =	sne.s32 s14, $0x1C000  }
0x12d: {  	[tilespmem:s25], [sflag:$0x8] =	stream.indirect_vreg.gather [hbm4b:s5+s3], $0x80, v2, vm0, $0xb8;
	[tilespmem:$0x14000] =	vst v63  }
.Ltmp0:
0x12e: {  	_ = 	snop;
	(pc) =	sbr.rel @p0 .LBB2_2-.Ltmp0, $4  }
0x12f: {  	s22 =	simm.s32 $0x4000;
	s18 =	simm.s32 $0x6000  }
0x130: {  	[tilespmem:s26], [sflag:$0x8] =	stream.indirect_vreg.gather [hbm4b:s6+s3], $0x80, v2, vm0, $0xb8;
	[tilespmem:$0x14000] =	vst v63  }
0x131: {  	s21 =	simm.s32 $0x8000;
	s14 =	sadd.s32 $0x2000, s14;
	s13 =	sadd.s32 $0x400, s13  }
0x132: {  	[tilespmem:s20], [sflag:$0x8] =	stream.indirect_vreg.gather [hbm4b:s7+s3], $0x80, v2, vm0, $0xb8;
	[tilespmem:$0x14000] =	vst v63  }
0x133: {  	_ =	swait.ge [sflag:s29], $0x2000  }
0x134: {  	[sflag:s29] =	ssyncset.done $0x0  }
0x135: {  	s13 =	rddreg [dreg:$0xd];
	[sflag:s29] =	ssyncadd.s32 $0xFFFFE000  }
0x136: {  	[hbm4b:s13+s3] =	stream.linear.scatter [tilespmem:s22], [sflag:$0x9], $0x2000, $0x38;
	[tilespmem:$0x14000] =	vst v63  }
0x137: {  	_ =	swait.ge [sflag:s17], $0x2000  }
0x138: {  	[sflag:s17] =	ssyncset.done $0x0  }
0x139: {  	[sflag:s17] =	ssyncadd.s32 $0xFFFFE000  }
0x13a: {  	_ =	swait.ge [sflag:s30], $0x2000  }
0x13b: {  	[sflag:s30] =	ssyncset.done $0x0  }
0x13c: {  	s26 =	rddreg [dreg:$0xe];
	[sflag:s30] =	ssyncadd.s32 $0xFFFFE000  }
0x13d: {  	[hbm4b:s26+s3] =	stream.linear.scatter [tilespmem:s18], [sflag:$0x9], $0x2000, $0x38;
	[tilespmem:$0x14000] =	vst v63  }
0x13e: {  	_ =	swait.ge [sflag:s17], $0x2000  }
0x13f: {  	[sflag:s17] =	ssyncset.done $0x0  }
0x140: {  	[sflag:s17] =	ssyncadd.s32 $0xFFFFE000  }
0x141: {  	_ =	swait.ge [sflag:s0], $0x2000  }
0x142: {  	[sflag:s0] =	ssyncset.done $0x0  }
0x143: {  	s14 =	rddreg [dreg:$0xf];
	[sflag:s0] =	ssyncadd.s32 $0xFFFFE000  }
0x144: {  	[hbm4b:s14+s3] =	stream.linear.scatter [tilespmem:s21], [sflag:$0x9], $0x2000, $0x38;
	[tilespmem:$0x14000] =	vst v63  }
0x145: {  	_ =	swait.ge [sflag:s17], $0x2000  }
0x146: {  	[sflag:s17] =	ssyncset.done $0x0  }
0x147: {  	[sflag:s17] =	ssyncadd.s32 $0xFFFFE000  }
0x148: {  	_ =	swait.ge [sflag:s2], $0x2000  }
0x149: {  	[sflag:s2] =	ssyncset.done $0x0  }
0x14a: {  	s15 =	rddreg [dreg:$0x10];
	[sflag:s2] =	ssyncadd.s32 $0xFFFFE000  }
0x14b: {  	[hbm4b:s15+s3] =	stream.linear.scatter [tilespmem:s31], [sflag:$0x9], $0x2000, $0x38;
	[tilespmem:$0x14000] =	vst v63  }
0x14c: {  	_ =	swait.ge [sflag:s17], $0x2000  }
0x14d: {  	[sflag:s17] =	ssyncset.done $0x0  }
0x14e: {  	[sflag:s17] =	ssyncadd.s32 $0xFFFFE000  }
0x14f: {  	_ =	swait.ge [sflag:s4], $0x2000  }
0x150: {  	[sflag:s4] =	ssyncset.done $0x0  }
0x151: {  	s19 =	rddreg [dreg:$0x11];
	[sflag:s4] =	ssyncadd.s32 $0xFFFFE000  }
0x152: {  	[hbm4b:s19+s3] =	stream.linear.scatter [tilespmem:s8], [sflag:$0x9], $0x2000, $0x38;
	[tilespmem:$0x14000] =	vst v63  }
0x153: {  	_ =	swait.ge [sflag:s17], $0x2000  }
0x154: {  	[sflag:s17] =	ssyncset.done $0x0  }
0x155: {  	[sflag:s17] =	ssyncadd.s32 $0xFFFFE000  }
0x156: {  	_ =	swait.ge [sflag:s9], $0x2000  }
0x157: {  	[sflag:s9] =	ssyncset.done $0x0  }
0x158: {  	s20 =	rddreg [dreg:$0x12];
	[sflag:s9] =	ssyncadd.s32 $0xFFFFE000  }
0x159: {  	[hbm4b:s20+s3] =	stream.linear.scatter [tilespmem:s12], [sflag:$0x9], $0x2000, $0x38;
	[tilespmem:$0x14000] =	vst v63  }
0x15a: {  	_ =	swait.ge [sflag:s17], $0x2000  }
0x15b: {  	[sflag:s17] =	ssyncset.done $0x0  }
0x15c: {  	[sflag:s17] =	ssyncadd.s32 $0xFFFFE000  }
0x15d: {  	_ =	swait.ge [sflag:s10], $0x2000  }
0x15e: {  	[sflag:s10] =	ssyncset.done $0x0  }
0x15f: {  	s24 =	rddreg [dreg:$0x13];
	[sflag:s10] =	ssyncadd.s32 $0xFFFFE000  }
0x160: {  	[hbm4b:s24+s3] =	stream.linear.scatter [tilespmem:s16], [sflag:$0x9], $0x2000, $0x38;
	[tilespmem:$0x14000] =	vst v63  }
0x161: {  	_ =	swait.ge [sflag:s17], $0x2000  }
0x162: {  	[sflag:s17] =	ssyncset.done $0x0  }
0x163: {  	[sflag:s17] =	ssyncadd.s32 $0xFFFFE000  }
0x164: {  	_ =	swait.ge [sflag:s11], $0x2000  }
0x165: {  	[sflag:s11] =	ssyncset.done $0x0  }
0x166: {  	s25 =	rddreg [dreg:$0x14];
	[sflag:s11] =	ssyncadd.s32 $0xFFFFE000  }
0x167: {  	[hbm4b:s25+s3] =	stream.linear.scatter [tilespmem:s23], [sflag:$0x9], $0x2000, $0x38;
	[tilespmem:$0x14000] =	vst v63  }
0x168: {  	_ =	swait.ge [sflag:s17], $0x2000  }
0x169: {  	s14 =	rddreg [dreg:$0x16]  }
0x16a: {  	s26 =	rddreg [dreg:$0x15];
	s14 =	sadd.s32 $0x1, s14  }
0x16b: {  	p0 =	sne.s32 s14, s26  }
.Ltmp1:
0x16c: {  	_ = 	snop;
	(pc) =	sbr.rel @p0 .LBB2_1-.Ltmp1, $4  }
0x16d: {  	s28 =	simm.s32 $0x9000;
	s15 =	simm.s32 $0x5000  }
0x16e: {  	s19 =	simm.s32 $0x5800;
	s20 =	simm.s32 $0x6800;
	[sflag:s17] =	ssyncset.done $0x0  }
0x16f: {  	s24 =	simm.s32 $0x7800;
	s25 =	simm.s32 $0x8800;
	[sflag:s17] =	ssyncadd.s32 $0xFFFFE000  }
0x170: {  	[dreg:$0x16] =	wrdreg s14;
	s14 =	simm.s32 $0x4800;
	s26 =	simm.s32 $0x7000  }
0x171: {  	_ =	sfence.sel $0x180000  }
0x172: {  	[bflag:$0x0] =	sbarrier.arrive $0xFFFF  }
0x173: {  	_ =	strace $0x90000047  }
0x174: {  	s0 =	stileid.u32;
	[bflag:$0x2] =	sbarrier.arrive $0xFFFF  }
0x175: {  	p0 =	sne.s32 s0, $0x0;
	s0 =	rddreg [dreg:$0x3]  }
0x176: {  	s0 =	sadd.s32 @!p0 $0x100000, s0  }
0x177: {  	[sflag:s0] =	ssyncadd.tile.s32 @!p0 $0x1;
	_ =	shalt  }
.Lfunc_end2:
_tile_overlayer_lowered:
.L_overlay_start_2:
0x178: {  	(tag) =	ssettag $0x2  }
0x179: {  	s0 =	rddreg [dreg:$0x0];
	s2 =	stileid.u32  }
0x17a: {  	s1 =	rddreg [dreg:$0x1];
	p0 =	sne.s32 s2, $0x0  }
0x17b: {  	s3 =	rddreg [dreg:$0x2];
	[bflag:$0x3] =	sbarrier.arrive $0xFFFF;
	s2 =	simm.s32 @!p0 $0x1C09  }
0x17c: {  	[timem:s3], [sflag:s2] =	dma.local @!p0 [hbm:s0], s1  }
0x17d: {  	s0 =	simm.s32 @!p0 $0x9  }
0x17e: {  	_ =	swait.ge @!p0 [sflag:s0], s1  }
0x17f: {  	s1 =	ssub.s32 @!p0 $0x0, s1;
	[sflag:s0] =	ssyncset.done @!p0 $0x0  }
0x180: {  	[sflag:s0] =	ssyncadd.s32 @!p0 s1  }
0x181: {  	[bflag:$0x3] =	sbarrier.arrive $0xFFFF  }
0x182: {  	_ =	shalt  }

</sc_bundles>
